<compile_context>
chip_gen: v7x
topology: tpu7x:2x2x1
jax: 0.10.2.dev20260603
libtpu: 0.0.44.dev20260713+nightly
codegen_flags: <defaults>
</compile_context>

<pallas_src>
import functools

import jax
import jax.numpy as jnp
from jax import lax
from jax.experimental import pallas as pl
from jax.experimental.pallas import tpu as pltpu
from jax.experimental.pallas import tpu_sc as plsc

N = 8388608
NSEG = 64
L = 16
NC, NS = 2, 16
NW = NC * NS
PER_W = N // NW
CHUNK = 8192
N_CHUNKS = PER_W // CHUNK
NBUF = 4
ROUNDS = N_CHUNKS // NBUF

_LN2 = 0.6931471805599453


def _ln1p_small(u):
    t = u / (u + 2.0)
    s = t * t
    return 2.0 * t * (1.0 + s * (1.0 / 3.0 + s * (0.2 + s * (1.0 / 7.0 + s * (1.0 / 9.0)))))


def _ln_pos(y):
    bits = plsc.bitcast(y, jnp.int32)
    e = ((bits >> 23) - 127).astype(jnp.float32)
    m = plsc.bitcast((bits & 0x007FFFFF) | 0x3F800000, jnp.float32)
    return e * _LN2 + _ln1p_small(m - 1.0)


_mesh = plsc.VectorSubcoreMesh(core_axis_name="c", subcore_axis_name="s")


@functools.partial(
    pl.kernel,
    out_type=jax.ShapeDtypeStruct((N,), jnp.float32),
    mesh=_mesh,
    compiler_params=pltpu.CompilerParams(needs_layout_passes=False),
    scratch_types=(
        [pltpu.VMEM((NSEG,), jnp.float32)] * 2
        + [pltpu.VMEM((CHUNK,), jnp.float32)] * (2 * NBUF)
        + [pltpu.SemaphoreType.DMA] * (2 * NBUF)
    ),
)
def _sc_flow(x_hbm, raw_hbm, out_hbm, raw_v, tab_v, *rest):
    xbuf = rest[0:NBUF]
    obuf = rest[NBUF:2 * NBUF]
    sem_in = rest[2 * NBUF:3 * NBUF]
    sem_out = rest[3 * NBUF:4 * NBUF]
    wid = lax.axis_index("s") * NC + lax.axis_index("c")
    base = wid * PER_W

    copies_in = [None] * NBUF
    copies_out = [None] * NBUF
    for c in range(NBUF):
        off = base + c * CHUNK
        copies_in[c] = pltpu.async_copy(
            x_hbm.at[pl.ds(off, CHUNK)], xbuf[c], sem_in[c])

    pltpu.sync_copy(raw_hbm, raw_v)
    hs = []
    total = jnp.float32(0.0)
    for g in range(NSEG // L):
        r = raw_v[pl.ds(g * L, L)]
        u = jnp.exp(-jnp.abs(r))
        sp = jnp.maximum(r, 0.0) + _ln1p_small(u)
        h = sp + 1e-6
        hs.append(h)
        total = total + jnp.sum(h)
    scale = float(NSEG) / lax.broadcast(total, (L,))
    for g in range(NSEG // L):
        y = hs[g] * scale + 1e-10
        tab_v[pl.ds(g * L, L)] = _ln_pos(y)

    def round_body(r, carry):
        for j in range(NBUF):
            c = r * NBUF + j
            off = base + c * CHUNK
            xb = xbuf[j]
            ob = obuf[j]
            pltpu.make_async_copy(
                x_hbm.at[pl.ds(off, CHUNK)], xb, sem_in[j]).wait()

            @pl.when(r > 0)
            def _(ob=ob, off=off, j=j):
                pltpu.make_async_copy(
                    ob, out_hbm.at[pl.ds(off, CHUNK)], sem_out[j]).wait()

            @plsc.parallel_loop(0, CHUNK // L, 1, unroll=16)
            def _(i, xb=xb, ob=ob):
                xv = xb[pl.ds(i * L, L)]
                idx = (xv * float(NSEG)).astype(jnp.int32)
                idx = jnp.minimum(jnp.maximum(idx, 0), NSEG - 1)
                ob[pl.ds(i * L, L)] = plsc.load_gather(tab_v, [idx])

            pltpu.async_copy(ob, out_hbm.at[pl.ds(off, CHUNK)], sem_out[j])

            @pl.when(c + NBUF < N_CHUNKS)
            def _(xb=xb, off=off, j=j):
                pltpu.async_copy(
                    x_hbm.at[pl.ds(off + NBUF * CHUNK, CHUNK)], xb, sem_in[j])

        return carry

    lax.fori_loop(0, ROUNDS, round_body, 0)

    for b in range(NBUF):
        off = base + (N_CHUNKS - NBUF + b) * CHUNK
        pltpu.make_async_copy(
            obuf[b], out_hbm.at[pl.ds(off, CHUNK)], sem_out[b]).wait()


def kernel(x, raw):
    return _sc_flow(x, raw)

# --- scband reference (transcript-rebuilt; emitter-appended) ---
"""Pipeline reference for scband-monotonic-flow1-d-84353157693946 (READ-ONLY COPY).

The authoritative reference and input builder live on the scoring server;
editing this copy changes nothing except your own understanding.
"""

import jax, jax.numpy as jnp
import numpy as np

N_SEGMENTS = 64
N = 8388608

def setup_inputs(seed: int = 0) -> dict:
    key = jax.random.key(seed)
    k1, k2 = jax.random.split(key)
    x = jax.random.uniform(k1, (N,), dtype=jnp.float32)
    raw = jax.random.normal(k2, (N_SEGMENTS,), dtype=jnp.float32)
    return {"x": x, "raw": raw}

def reference(x, raw):
    n_segments = raw.shape[0]
    # positive, normalised heights
    h = jax.nn.softplus(raw) + 1e-06
    h = h / h.sum()
    # piecewise-constant density lookup (gather)
    idx = jnp.clip((x * n_segments).astype(jnp.int32), 0, n_segments - 1)
    density = jnp.take(h, idx, axis=0) * n_segments
    return jnp.log(density + 1e-10)

if __name__ == "__main__":
    import jax
    _d = setup_inputs()
    print(jax.jit(kernel)(*tuple(_d.values())))

</pallas_src>

<mosaic_0001>
#map = affine_map<(d0, d1) -> (0)>
module attributes {stable_mosaic.version = 14 : i64} {
  func.func @_sc_flow(%arg0: i32, %arg1: i32, %arg2: memref<8388608xf32, #tpu.memory_space<hbm>>, %arg3: memref<64xf32, #tpu.memory_space<hbm>>, %arg4: memref<8388608xf32, #tpu.memory_space<hbm>>, %arg5: memref<64xf32, #tpu.memory_space<vmem>>, %arg6: memref<64xf32, #tpu.memory_space<vmem>>, %arg7: memref<8192xf32, #tpu.memory_space<vmem>>, %arg8: memref<8192xf32, #tpu.memory_space<vmem>>, %arg9: memref<8192xf32, #tpu.memory_space<vmem>>, %arg10: memref<8192xf32, #tpu.memory_space<vmem>>, %arg11: memref<8192xf32, #tpu.memory_space<vmem>>, %arg12: memref<8192xf32, #tpu.memory_space<vmem>>, %arg13: memref<8192xf32, #tpu.memory_space<vmem>>, %arg14: memref<8192xf32, #tpu.memory_space<vmem>>, %arg15: memref<!tpu.dma_semaphore, #tpu.memory_space<semaphore_mem>>, %arg16: memref<!tpu.dma_semaphore, #tpu.memory_space<semaphore_mem>>, %arg17: memref<!tpu.dma_semaphore, #tpu.memory_space<semaphore_mem>>, %arg18: memref<!tpu.dma_semaphore, #tpu.memory_space<semaphore_mem>>, %arg19: memref<!tpu.dma_semaphore, #tpu.memory_space<semaphore_mem>>, %arg20: memref<!tpu.dma_semaphore, #tpu.memory_space<semaphore_mem>>, %arg21: memref<!tpu.dma_semaphore, #tpu.memory_space<semaphore_mem>>, %arg22: memref<!tpu.dma_semaphore, #tpu.memory_space<semaphore_mem>>) attributes {dimension_semantics = [#tpu.dimension_semantics<core_parallel>, #tpu.dimension_semantics<subcore_parallel>], iteration_bounds = array<i64: 2, 16>, scalar_prefetch = 0 : i64, scratch_operands = 18 : i64, tpu.core_type = #tpu.core_type<sc_vector_subcore>, window_params = [{transform_indices = #map}, {transform_indices = #map}, {transform_indices = #map}]} {
    %mul3A = arith.constant 2 : i32
    %mul3A_0 = arith.muli %arg1, %mul3A : i32
    %add3A = arith.addi %mul3A_0, %arg0 : i32
    %mul3A_1 = arith.constant 262144 : i32
    %mul3A_2 = arith.muli %add3A, %mul3A_1 : i32
    %add3A_3 = arith.constant 0 : i32
    %add3A_4 = arith.addi %mul3A_2, %add3A_3 : i32
    %dma_start3A = tpu.memref_slice %arg2[%add3A_4] : memref<8388608xf32, #tpu.memory_space<hbm>> -> memref<8192xf32, #tpu.memory_space<hbm>>
    %dma_start3A_5 = tpu.memref_slice %arg2[%add3A_4] : memref<8388608xf32, #tpu.memory_space<hbm>> -> memref<8192xf32, #tpu.memory_space<hbm>>
    tpu.enqueue_dma source(%dma_start3A_5 : memref<8192xf32, #tpu.memory_space<hbm>>) target(%arg7 : memref<8192xf32, #tpu.memory_space<vmem>>) target_semaphore(%arg15 : memref<!tpu.dma_semaphore, #tpu.memory_space<semaphore_mem>>)
    %add3A_6 = arith.constant 8192 : i32
    %add3A_7 = arith.addi %mul3A_2, %add3A_6 : i32
    %dma_start3A_8 = tpu.memref_slice %arg2[%add3A_7] : memref<8388608xf32, #tpu.memory_space<hbm>> -> memref<8192xf32, #tpu.memory_space<hbm>>
    %dma_start3A_9 = tpu.memref_slice %arg2[%add3A_7] : memref<8388608xf32, #tpu.memory_space<hbm>> -> memref<8192xf32, #tpu.memory_space<hbm>>
    tpu.enqueue_dma source(%dma_start3A_9 : memref<8192xf32, #tpu.memory_space<hbm>>) target(%arg8 : memref<8192xf32, #tpu.memory_space<vmem>>) target_semaphore(%arg16 : memref<!tpu.dma_semaphore, #tpu.memory_space<semaphore_mem>>)
    %add3A_10 = arith.constant 16384 : i32
    %add3A_11 = arith.addi %mul3A_2, %add3A_10 : i32
    %dma_start3A_12 = tpu.memref_slice %arg2[%add3A_11] : memref<8388608xf32, #tpu.memory_space<hbm>> -> memref<8192xf32, #tpu.memory_space<hbm>>
    %dma_start3A_13 = tpu.memref_slice %arg2[%add3A_11] : memref<8388608xf32, #tpu.memory_space<hbm>> -> memref<8192xf32, #tpu.memory_space<hbm>>
    tpu.enqueue_dma source(%dma_start3A_13 : memref<8192xf32, #tpu.memory_space<hbm>>) target(%arg9 : memref<8192xf32, #tpu.memory_space<vmem>>) target_semaphore(%arg17 : memref<!tpu.dma_semaphore, #tpu.memory_space<semaphore_mem>>)
    %add3A_14 = arith.constant 24576 : i32
    %add3A_15 = arith.addi %mul3A_2, %add3A_14 : i32
    %dma_start3A_16 = tpu.memref_slice %arg2[%add3A_15] : memref<8388608xf32, #tpu.memory_space<hbm>> -> memref<8192xf32, #tpu.memory_space<hbm>>
    %dma_start3A_17 = tpu.memref_slice %arg2[%add3A_15] : memref<8388608xf32, #tpu.memory_space<hbm>> -> memref<8192xf32, #tpu.memory_space<hbm>>
    tpu.enqueue_dma source(%dma_start3A_17 : memref<8192xf32, #tpu.memory_space<hbm>>) target(%arg10 : memref<8192xf32, #tpu.memory_space<vmem>>) target_semaphore(%arg18 : memref<!tpu.dma_semaphore, #tpu.memory_space<semaphore_mem>>)
    "tpu.region"() ({
      %run_scoped3A = tpu.sem_alloc : memref<!tpu.dma_semaphore, #tpu.memory_space<semaphore_mem>>
      tpu.enqueue_dma source(%arg3 : memref<64xf32, #tpu.memory_space<hbm>>) target(%arg5 : memref<64xf32, #tpu.memory_space<vmem>>) target_semaphore(%run_scoped3A : memref<!tpu.dma_semaphore, #tpu.memory_space<semaphore_mem>>)
      tpu.wait_dma2 semaphore(%run_scoped3A : memref<!tpu.dma_semaphore, #tpu.memory_space<semaphore_mem>>) src(%arg3 : memref<64xf32, #tpu.memory_space<hbm>>) dst(%arg5 : memref<64xf32, #tpu.memory_space<vmem>>)
      tpu.yield
    }) : () -> ()
    %get3A = arith.constant 0 : index
    %get3A_18 = tpu.vector_load %arg5[%get3A] {strides = array<i32>} : memref<64xf32, #tpu.memory_space<vmem>>, vector<16xf32>,
    %abs3A = math.absf %get3A_18 : vector<16xf32>
    %neg3A = arith.constant 0.000000e+00 : f32
    %neg3A_19 = vector.broadcast %neg3A : f32 to vector<16xf32>
    %neg3A_20 = arith.subf %neg3A_19, %abs3A : vector<16xf32>
    %exp3A = math.exp %neg3A_20 : vector<16xf32>
    %max3A = arith.constant 0.000000e+00 : f32
    %max3A_21 = vector.broadcast %max3A : f32 to vector<16xf32>
    %max3A_22 = arith.maximumf %get3A_18, %max3A_21 : vector<16xf32>
    %add3A_23 = arith.constant 2.000000e+00 : f32
    %add3A_24 = vector.broadcast %add3A_23 : f32 to vector<16xf32>
    %add3A_25 = arith.addf %exp3A, %add3A_24 : vector<16xf32>
    %div3A = arith.divf %exp3A, %add3A_25 : vector<16xf32>
    %mul3A_26 = arith.mulf %div3A, %div3A : vector<16xf32>
    %mul3A_27 = arith.constant 2.000000e+00 : f32
    %mul3A_28 = vector.broadcast %mul3A_27 : f32 to vector<16xf32>
    %mul3A_29 = arith.mulf %mul3A_28, %div3A : vector<16xf32>
    %mul3A_30 = arith.constant 0.111111112 : f32
    %mul3A_31 = vector.broadcast %mul3A_30 : f32 to vector<16xf32>
    %mul3A_32 = arith.mulf %mul3A_26, %mul3A_31 : vector<16xf32>
    %add3A_33 = arith.constant 0.142857149 : f32
    %add3A_34 = vector.broadcast %add3A_33 : f32 to vector<16xf32>
    %add3A_35 = arith.addf %add3A_34, %mul3A_32 : vector<16xf32>
    %mul3A_36 = arith.mulf %mul3A_26, %add3A_35 : vector<16xf32>
    %add3A_37 = arith.constant 2.000000e-01 : f32
    %add3A_38 = vector.broadcast %add3A_37 : f32 to vector<16xf32>
    %add3A_39 = arith.addf %add3A_38, %mul3A_36 : vector<16xf32>
    %mul3A_40 = arith.mulf %mul3A_26, %add3A_39 : vector<16xf32>
    %add3A_41 = arith.constant 0.333333343 : f32
    %add3A_42 = vector.broadcast %add3A_41 : f32 to vector<16xf32>
    %add3A_43 = arith.addf %add3A_42, %mul3A_40 : vector<16xf32>
    %mul3A_44 = arith.mulf %mul3A_26, %add3A_43 : vector<16xf32>
    %add3A_45 = arith.constant 1.000000e+00 : f32
    %add3A_46 = vector.broadcast %add3A_45 : f32 to vector<16xf32>
    %add3A_47 = arith.addf %add3A_46, %mul3A_44 : vector<16xf32>
    %mul3A_48 = arith.mulf %mul3A_29, %add3A_47 : vector<16xf32>
    %add3A_49 = arith.addf %max3A_22, %mul3A_48 : vector<16xf32>
    %add3A_50 = arith.constant 9.99999997E-7 : f32
    %add3A_51 = vector.broadcast %add3A_50 : f32 to vector<16xf32>
    %add3A_52 = arith.addf %add3A_49, %add3A_51 : vector<16xf32>
    %reduce_sum3A = arith.constant true
    %reduce_sum3A_53 = vector.broadcast %reduce_sum3A : i1 to vector<16xi1>
    %reduce_sum3A_54 = tpu.scan <sum>, %add3A_52 masked %reduce_sum3A_53 : vector<16xf32>, vector<16xi1> -> vector<16xf32>
    %reduce_sum3A_55 = vector.extract %reduce_sum3A_54[15] : f32 from vector<16xf32>
    %add3A_56 = arith.constant 0.000000e+00 : f32
    %add3A_57 = arith.addf %add3A_56, %reduce_sum3A_55 : f32
    %get3A_58 = arith.constant 16 : index
    %get3A_59 = tpu.vector_load %arg5[%get3A_58] {strides = array<i32>} : memref<64xf32, #tpu.memory_space<vmem>>, vector<16xf32>,
    %abs3A_60 = math.absf %get3A_59 : vector<16xf32>
    %neg3A_61 = arith.constant 0.000000e+00 : f32
    %neg3A_62 = vector.broadcast %neg3A_61 : f32 to vector<16xf32>
    %neg3A_63 = arith.subf %neg3A_62, %abs3A_60 : vector<16xf32>
    %exp3A_64 = math.exp %neg3A_63 : vector<16xf32>
    %max3A_65 = arith.constant 0.000000e+00 : f32
    %max3A_66 = vector.broadcast %max3A_65 : f32 to vector<16xf32>
    %max3A_67 = arith.maximumf %get3A_59, %max3A_66 : vector<16xf32>
    %add3A_68 = arith.constant 2.000000e+00 : f32
    %add3A_69 = vector.broadcast %add3A_68 : f32 to vector<16xf32>
    %add3A_70 = arith.addf %exp3A_64, %add3A_69 : vector<16xf32>
    %div3A_71 = arith.divf %exp3A_64, %add3A_70 : vector<16xf32>
    %mul3A_72 = arith.mulf %div3A_71, %div3A_71 : vector<16xf32>
    %mul3A_73 = arith.constant 2.000000e+00 : f32
    %mul3A_74 = vector.broadcast %mul3A_73 : f32 to vector<16xf32>
    %mul3A_75 = arith.mulf %mul3A_74, %div3A_71 : vector<16xf32>
    %mul3A_76 = arith.constant 0.111111112 : f32
    %mul3A_77 = vector.broadcast %mul3A_76 : f32 to vector<16xf32>
    %mul3A_78 = arith.mulf %mul3A_72, %mul3A_77 : vector<16xf32>
    %add3A_79 = arith.constant 0.142857149 : f32
    %add3A_80 = vector.broadcast %add3A_79 : f32 to vector<16xf32>
    %add3A_81 = arith.addf %add3A_80, %mul3A_78 : vector<16xf32>
    %mul3A_82 = arith.mulf %mul3A_72, %add3A_81 : vector<16xf32>
    %add3A_83 = arith.constant 2.000000e-01 : f32
    %add3A_84 = vector.broadcast %add3A_83 : f32 to vector<16xf32>
    %add3A_85 = arith.addf %add3A_84, %mul3A_82 : vector<16xf32>
    %mul3A_86 = arith.mulf %mul3A_72, %add3A_85 : vector<16xf32>
    %add3A_87 = arith.constant 0.333333343 : f32
    %add3A_88 = vector.broadcast %add3A_87 : f32 to vector<16xf32>
    %add3A_89 = arith.addf %add3A_88, %mul3A_86 : vector<16xf32>
    %mul3A_90 = arith.mulf %mul3A_72, %add3A_89 : vector<16xf32>
    %add3A_91 = arith.constant 1.000000e+00 : f32
    %add3A_92 = vector.broadcast %add3A_91 : f32 to vector<16xf32>
    %add3A_93 = arith.addf %add3A_92, %mul3A_90 : vector<16xf32>
    %mul3A_94 = arith.mulf %mul3A_75, %add3A_93 : vector<16xf32>
    %add3A_95 = arith.addf %max3A_67, %mul3A_94 : vector<16xf32>
    %add3A_96 = arith.constant 9.99999997E-7 : f32
    %add3A_97 = vector.broadcast %add3A_96 : f32 to vector<16xf32>
    %add3A_98 = arith.addf %add3A_95, %add3A_97 : vector<16xf32>
    %reduce_sum3A_99 = arith.constant true
    %reduce_sum3A_100 = vector.broadcast %reduce_sum3A_99 : i1 to vector<16xi1>
    %reduce_sum3A_101 = tpu.scan <sum>, %add3A_98 masked %reduce_sum3A_100 : vector<16xf32>, vector<16xi1> -> vector<16xf32>
    %reduce_sum3A_102 = vector.extract %reduce_sum3A_101[15] : f32 from vector<16xf32>
    %add3A_103 = arith.addf %add3A_57, %reduce_sum3A_102 : f32
    %get3A_104 = arith.constant 32 : index
    %get3A_105 = tpu.vector_load %arg5[%get3A_104] {strides = array<i32>} : memref<64xf32, #tpu.memory_space<vmem>>, vector<16xf32>,
    %abs3A_106 = math.absf %get3A_105 : vector<16xf32>
    %neg3A_107 = arith.constant 0.000000e+00 : f32
    %neg3A_108 = vector.broadcast %neg3A_107 : f32 to vector<16xf32>
    %neg3A_109 = arith.subf %neg3A_108, %abs3A_106 : vector<16xf32>
    %exp3A_110 = math.exp %neg3A_109 : vector<16xf32>
    %max3A_111 = arith.constant 0.000000e+00 : f32
    %max3A_112 = vector.broadcast %max3A_111 : f32 to vector<16xf32>
    %max3A_113 = arith.maximumf %get3A_105, %max3A_112 : vector<16xf32>
    %add3A_114 = arith.constant 2.000000e+00 : f32
    %add3A_115 = vector.broadcast %add3A_114 : f32 to vector<16xf32>
    %add3A_116 = arith.addf %exp3A_110, %add3A_115 : vector<16xf32>
    %div3A_117 = arith.divf %exp3A_110, %add3A_116 : vector<16xf32>
    %mul3A_118 = arith.mulf %div3A_117, %div3A_117 : vector<16xf32>
    %mul3A_119 = arith.constant 2.000000e+00 : f32
    %mul3A_120 = vector.broadcast %mul3A_119 : f32 to vector<16xf32>
    %mul3A_121 = arith.mulf %mul3A_120, %div3A_117 : vector<16xf32>
    %mul3A_122 = arith.constant 0.111111112 : f32
    %mul3A_123 = vector.broadcast %mul3A_122 : f32 to vector<16xf32>
    %mul3A_124 = arith.mulf %mul3A_118, %mul3A_123 : vector<16xf32>
    %add3A_125 = arith.constant 0.142857149 : f32
    %add3A_126 = vector.broadcast %add3A_125 : f32 to vector<16xf32>
    %add3A_127 = arith.addf %add3A_126, %mul3A_124 : vector<16xf32>
    %mul3A_128 = arith.mulf %mul3A_118, %add3A_127 : vector<16xf32>
    %add3A_129 = arith.constant 2.000000e-01 : f32
    %add3A_130 = vector.broadcast %add3A_129 : f32 to vector<16xf32>
    %add3A_131 = arith.addf %add3A_130, %mul3A_128 : vector<16xf32>
    %mul3A_132 = arith.mulf %mul3A_118, %add3A_131 : vector<16xf32>
    %add3A_133 = arith.constant 0.333333343 : f32
    %add3A_134 = vector.broadcast %add3A_133 : f32 to vector<16xf32>
    %add3A_135 = arith.addf %add3A_134, %mul3A_132 : vector<16xf32>
    %mul3A_136 = arith.mulf %mul3A_118, %add3A_135 : vector<16xf32>
    %add3A_137 = arith.constant 1.000000e+00 : f32
    %add3A_138 = vector.broadcast %add3A_137 : f32 to vector<16xf32>
    %add3A_139 = arith.addf %add3A_138, %mul3A_136 : vector<16xf32>
    %mul3A_140 = arith.mulf %mul3A_121, %add3A_139 : vector<16xf32>
    %add3A_141 = arith.addf %max3A_113, %mul3A_140 : vector<16xf32>
    %add3A_142 = arith.constant 9.99999997E-7 : f32
    %add3A_143 = vector.broadcast %add3A_142 : f32 to vector<16xf32>
    %add3A_144 = arith.addf %add3A_141, %add3A_143 : vector<16xf32>
    %reduce_sum3A_145 = arith.constant true
    %reduce_sum3A_146 = vector.broadcast %reduce_sum3A_145 : i1 to vector<16xi1>
    %reduce_sum3A_147 = tpu.scan <sum>, %add3A_144 masked %reduce_sum3A_146 : vector<16xf32>, vector<16xi1> -> vector<16xf32>
    %reduce_sum3A_148 = vector.extract %reduce_sum3A_147[15] : f32 from vector<16xf32>
    %add3A_149 = arith.addf %add3A_103, %reduce_sum3A_148 : f32
    %get3A_150 = arith.constant 48 : index
    %get3A_151 = tpu.vector_load %arg5[%get3A_150] {strides = array<i32>} : memref<64xf32, #tpu.memory_space<vmem>>, vector<16xf32>,
    %abs3A_152 = math.absf %get3A_151 : vector<16xf32>
    %neg3A_153 = arith.constant 0.000000e+00 : f32
    %neg3A_154 = vector.broadcast %neg3A_153 : f32 to vector<16xf32>
    %neg3A_155 = arith.subf %neg3A_154, %abs3A_152 : vector<16xf32>
    %exp3A_156 = math.exp %neg3A_155 : vector<16xf32>
    %max3A_157 = arith.constant 0.000000e+00 : f32
    %max3A_158 = vector.broadcast %max3A_157 : f32 to vector<16xf32>
    %max3A_159 = arith.maximumf %get3A_151, %max3A_158 : vector<16xf32>
    %add3A_160 = arith.constant 2.000000e+00 : f32
    %add3A_161 = vector.broadcast %add3A_160 : f32 to vector<16xf32>
    %add3A_162 = arith.addf %exp3A_156, %add3A_161 : vector<16xf32>
    %div3A_163 = arith.divf %exp3A_156, %add3A_162 : vector<16xf32>
    %mul3A_164 = arith.mulf %div3A_163, %div3A_163 : vector<16xf32>
    %mul3A_165 = arith.constant 2.000000e+00 : f32
    %mul3A_166 = vector.broadcast %mul3A_165 : f32 to vector<16xf32>
    %mul3A_167 = arith.mulf %mul3A_166, %div3A_163 : vector<16xf32>
    %mul3A_168 = arith.constant 0.111111112 : f32
    %mul3A_169 = vector.broadcast %mul3A_168 : f32 to vector<16xf32>
    %mul3A_170 = arith.mulf %mul3A_164, %mul3A_169 : vector<16xf32>
    %add3A_171 = arith.constant 0.142857149 : f32
    %add3A_172 = vector.broadcast %add3A_171 : f32 to vector<16xf32>
    %add3A_173 = arith.addf %add3A_172, %mul3A_170 : vector<16xf32>
    %mul3A_174 = arith.mulf %mul3A_164, %add3A_173 : vector<16xf32>
    %add3A_175 = arith.constant 2.000000e-01 : f32
    %add3A_176 = vector.broadcast %add3A_175 : f32 to vector<16xf32>
    %add3A_177 = arith.addf %add3A_176, %mul3A_174 : vector<16xf32>
    %mul3A_178 = arith.mulf %mul3A_164, %add3A_177 : vector<16xf32>
    %add3A_179 = arith.constant 0.333333343 : f32
    %add3A_180 = vector.broadcast %add3A_179 : f32 to vector<16xf32>
    %add3A_181 = arith.addf %add3A_180, %mul3A_178 : vector<16xf32>
    %mul3A_182 = arith.mulf %mul3A_164, %add3A_181 : vector<16xf32>
    %add3A_183 = arith.constant 1.000000e+00 : f32
    %add3A_184 = vector.broadcast %add3A_183 : f32 to vector<16xf32>
    %add3A_185 = arith.addf %add3A_184, %mul3A_182 : vector<16xf32>
    %mul3A_186 = arith.mulf %mul3A_167, %add3A_185 : vector<16xf32>
    %add3A_187 = arith.addf %max3A_159, %mul3A_186 : vector<16xf32>
    %add3A_188 = arith.constant 9.99999997E-7 : f32
    %add3A_189 = vector.broadcast %add3A_188 : f32 to vector<16xf32>
    %add3A_190 = arith.addf %add3A_187, %add3A_189 : vector<16xf32>
    %reduce_sum3A_191 = arith.constant true
    %reduce_sum3A_192 = vector.broadcast %reduce_sum3A_191 : i1 to vector<16xi1>
    %reduce_sum3A_193 = tpu.scan <sum>, %add3A_190 masked %reduce_sum3A_192 : vector<16xf32>, vector<16xi1> -> vector<16xf32>
    %reduce_sum3A_194 = vector.extract %reduce_sum3A_193[15] : f32 from vector<16xf32>
    %add3A_195 = arith.addf %add3A_149, %reduce_sum3A_194 : f32
    %broadcast_in_dim3A = vector.broadcast %add3A_195 : f32 to vector<16xf32>
    %div3A_196 = arith.constant 6.400000e+01 : f32
    %div3A_197 = vector.broadcast %div3A_196 : f32 to vector<16xf32>
    %div3A_198 = arith.divf %div3A_197, %broadcast_in_dim3A : vector<16xf32>
    %mul3A_199 = arith.mulf %add3A_52, %div3A_198 : vector<16xf32>
    %add3A_200 = arith.constant 1.000000e-10 : f32
    %add3A_201 = vector.broadcast %add3A_200 : f32 to vector<16xf32>
    %add3A_202 = arith.addf %mul3A_199, %add3A_201 : vector<16xf32>
    %bitcast3A = vector.bitcast %add3A_202 : vector<16xf32> to vector<16xi32>
    %shift_right_arithmetic3A = arith.constant 23 : i32
    %shift_right_arithmetic3A_203 = vector.broadcast %shift_right_arithmetic3A : i32 to vector<16xi32>
    %shift_right_arithmetic3A_204 = arith.shrsi %bitcast3A, %shift_right_arithmetic3A_203 : vector<16xi32>
    %sub3A = arith.constant 127 : i32
    %sub3A_205 = vector.broadcast %sub3A : i32 to vector<16xi32>
    %sub3A_206 = arith.subi %shift_right_arithmetic3A_204, %sub3A_205 : vector<16xi32>
    %convert_element_type3A = arith.sitofp %sub3A_206 : vector<16xi32> to vector<16xf32>
    %and3A = arith.constant 8388607 : i32
    %and3A_207 = vector.broadcast %and3A : i32 to vector<16xi32>
    %and3A_208 = arith.andi %bitcast3A, %and3A_207 : vector<16xi32>
    %or3A = arith.constant 1065353216 : i32
    %or3A_209 = vector.broadcast %or3A : i32 to vector<16xi32>
    %or3A_210 = arith.ori %and3A_208, %or3A_209 : vector<16xi32>
    %bitcast3A_211 = vector.bitcast %or3A_210 : vector<16xi32> to vector<16xf32>
    %mul3A_212 = arith.constant 0.693147182 : f32
    %mul3A_213 = vector.broadcast %mul3A_212 : f32 to vector<16xf32>
    %mul3A_214 = arith.mulf %convert_element_type3A, %mul3A_213 : vector<16xf32>
    %sub3A_215 = arith.constant 1.000000e+00 : f32
    %sub3A_216 = vector.broadcast %sub3A_215 : f32 to vector<16xf32>
    %sub3A_217 = arith.subf %bitcast3A_211, %sub3A_216 : vector<16xf32>
    %add3A_218 = arith.constant 2.000000e+00 : f32
    %add3A_219 = vector.broadcast %add3A_218 : f32 to vector<16xf32>
    %add3A_220 = arith.addf %sub3A_217, %add3A_219 : vector<16xf32>
    %div3A_221 = arith.divf %sub3A_217, %add3A_220 : vector<16xf32>
    %mul3A_222 = arith.mulf %div3A_221, %div3A_221 : vector<16xf32>
    %mul3A_223 = arith.constant 2.000000e+00 : f32
    %mul3A_224 = vector.broadcast %mul3A_223 : f32 to vector<16xf32>
    %mul3A_225 = arith.mulf %mul3A_224, %div3A_221 : vector<16xf32>
    %mul3A_226 = arith.constant 0.111111112 : f32
    %mul3A_227 = vector.broadcast %mul3A_226 : f32 to vector<16xf32>
    %mul3A_228 = arith.mulf %mul3A_222, %mul3A_227 : vector<16xf32>
    %add3A_229 = arith.constant 0.142857149 : f32
    %add3A_230 = vector.broadcast %add3A_229 : f32 to vector<16xf32>
    %add3A_231 = arith.addf %add3A_230, %mul3A_228 : vector<16xf32>
    %mul3A_232 = arith.mulf %mul3A_222, %add3A_231 : vector<16xf32>
    %add3A_233 = arith.constant 2.000000e-01 : f32
    %add3A_234 = vector.broadcast %add3A_233 : f32 to vector<16xf32>
    %add3A_235 = arith.addf %add3A_234, %mul3A_232 : vector<16xf32>
    %mul3A_236 = arith.mulf %mul3A_222, %add3A_235 : vector<16xf32>
    %add3A_237 = arith.constant 0.333333343 : f32
    %add3A_238 = vector.broadcast %add3A_237 : f32 to vector<16xf32>
    %add3A_239 = arith.addf %add3A_238, %mul3A_236 : vector<16xf32>
    %mul3A_240 = arith.mulf %mul3A_222, %add3A_239 : vector<16xf32>
    %add3A_241 = arith.constant 1.000000e+00 : f32
    %add3A_242 = vector.broadcast %add3A_241 : f32 to vector<16xf32>
    %add3A_243 = arith.addf %add3A_242, %mul3A_240 : vector<16xf32>
    %mul3A_244 = arith.mulf %mul3A_225, %add3A_243 : vector<16xf32>
    %add3A_245 = arith.addf %mul3A_214, %mul3A_244 : vector<16xf32>
    %swap3A = arith.constant 0 : index
    %swap3A_246 = tpu.vector_load %arg6[%swap3A] {strides = array<i32>} : memref<64xf32, #tpu.memory_space<vmem>>, vector<16xf32>,
    tpu.vector_store %arg6[%swap3A], %add3A_245 {strides = array<i32>} : memref<64xf32, #tpu.memory_space<vmem>>, vector<16xf32>,
    %mul3A_247 = arith.mulf %add3A_98, %div3A_198 : vector<16xf32>
    %add3A_248 = arith.constant 1.000000e-10 : f32
    %add3A_249 = vector.broadcast %add3A_248 : f32 to vector<16xf32>
    %add3A_250 = arith.addf %mul3A_247, %add3A_249 : vector<16xf32>
    %bitcast3A_251 = vector.bitcast %add3A_250 : vector<16xf32> to vector<16xi32>
    %shift_right_arithmetic3A_252 = arith.constant 23 : i32
    %shift_right_arithmetic3A_253 = vector.broadcast %shift_right_arithmetic3A_252 : i32 to vector<16xi32>
    %shift_right_arithmetic3A_254 = arith.shrsi %bitcast3A_251, %shift_right_arithmetic3A_253 : vector<16xi32>
    %sub3A_255 = arith.constant 127 : i32
    %sub3A_256 = vector.broadcast %sub3A_255 : i32 to vector<16xi32>
    %sub3A_257 = arith.subi %shift_right_arithmetic3A_254, %sub3A_256 : vector<16xi32>
    %convert_element_type3A_258 = arith.sitofp %sub3A_257 : vector<16xi32> to vector<16xf32>
    %and3A_259 = arith.constant 8388607 : i32
    %and3A_260 = vector.broadcast %and3A_259 : i32 to vector<16xi32>
    %and3A_261 = arith.andi %bitcast3A_251, %and3A_260 : vector<16xi32>
    %or3A_262 = arith.constant 1065353216 : i32
    %or3A_263 = vector.broadcast %or3A_262 : i32 to vector<16xi32>
    %or3A_264 = arith.ori %and3A_261, %or3A_263 : vector<16xi32>
    %bitcast3A_265 = vector.bitcast %or3A_264 : vector<16xi32> to vector<16xf32>
    %mul3A_266 = arith.constant 0.693147182 : f32
    %mul3A_267 = vector.broadcast %mul3A_266 : f32 to vector<16xf32>
    %mul3A_268 = arith.mulf %convert_element_type3A_258, %mul3A_267 : vector<16xf32>
    %sub3A_269 = arith.constant 1.000000e+00 : f32
    %sub3A_270 = vector.broadcast %sub3A_269 : f32 to vector<16xf32>
    %sub3A_271 = arith.subf %bitcast3A_265, %sub3A_270 : vector<16xf32>
    %add3A_272 = arith.constant 2.000000e+00 : f32
    %add3A_273 = vector.broadcast %add3A_272 : f32 to vector<16xf32>
    %add3A_274 = arith.addf %sub3A_271, %add3A_273 : vector<16xf32>
    %div3A_275 = arith.divf %sub3A_271, %add3A_274 : vector<16xf32>
    %mul3A_276 = arith.mulf %div3A_275, %div3A_275 : vector<16xf32>
    %mul3A_277 = arith.constant 2.000000e+00 : f32
    %mul3A_278 = vector.broadcast %mul3A_277 : f32 to vector<16xf32>
    %mul3A_279 = arith.mulf %mul3A_278, %div3A_275 : vector<16xf32>
    %mul3A_280 = arith.constant 0.111111112 : f32
    %mul3A_281 = vector.broadcast %mul3A_280 : f32 to vector<16xf32>
    %mul3A_282 = arith.mulf %mul3A_276, %mul3A_281 : vector<16xf32>
    %add3A_283 = arith.constant 0.142857149 : f32
    %add3A_284 = vector.broadcast %add3A_283 : f32 to vector<16xf32>
    %add3A_285 = arith.addf %add3A_284, %mul3A_282 : vector<16xf32>
    %mul3A_286 = arith.mulf %mul3A_276, %add3A_285 : vector<16xf32>
    %add3A_287 = arith.constant 2.000000e-01 : f32
    %add3A_288 = vector.broadcast %add3A_287 : f32 to vector<16xf32>
    %add3A_289 = arith.addf %add3A_288, %mul3A_286 : vector<16xf32>
    %mul3A_290 = arith.mulf %mul3A_276, %add3A_289 : vector<16xf32>
    %add3A_291 = arith.constant 0.333333343 : f32
    %add3A_292 = vector.broadcast %add3A_291 : f32 to vector<16xf32>
    %add3A_293 = arith.addf %add3A_292, %mul3A_290 : vector<16xf32>
    %mul3A_294 = arith.mulf %mul3A_276, %add3A_293 : vector<16xf32>
    %add3A_295 = arith.constant 1.000000e+00 : f32
    %add3A_296 = vector.broadcast %add3A_295 : f32 to vector<16xf32>
    %add3A_297 = arith.addf %add3A_296, %mul3A_294 : vector<16xf32>
    %mul3A_298 = arith.mulf %mul3A_279, %add3A_297 : vector<16xf32>
    %add3A_299 = arith.addf %mul3A_268, %mul3A_298 : vector<16xf32>
    %swap3A_300 = arith.constant 16 : index
    %swap3A_301 = tpu.vector_load %arg6[%swap3A_300] {strides = array<i32>} : memref<64xf32, #tpu.memory_space<vmem>>, vector<16xf32>,
    tpu.vector_store %arg6[%swap3A_300], %add3A_299 {strides = array<i32>} : memref<64xf32, #tpu.memory_space<vmem>>, vector<16xf32>,
    %mul3A_302 = arith.mulf %add3A_144, %div3A_198 : vector<16xf32>
    %add3A_303 = arith.constant 1.000000e-10 : f32
    %add3A_304 = vector.broadcast %add3A_303 : f32 to vector<16xf32>
    %add3A_305 = arith.addf %mul3A_302, %add3A_304 : vector<16xf32>
    %bitcast3A_306 = vector.bitcast %add3A_305 : vector<16xf32> to vector<16xi32>
    %shift_right_arithmetic3A_307 = arith.constant 23 : i32
    %shift_right_arithmetic3A_308 = vector.broadcast %shift_right_arithmetic3A_307 : i32 to vector<16xi32>
    %shift_right_arithmetic3A_309 = arith.shrsi %bitcast3A_306, %shift_right_arithmetic3A_308 : vector<16xi32>
    %sub3A_310 = arith.constant 127 : i32
    %sub3A_311 = vector.broadcast %sub3A_310 : i32 to vector<16xi32>
    %sub3A_312 = arith.subi %shift_right_arithmetic3A_309, %sub3A_311 : vector<16xi32>
    %convert_element_type3A_313 = arith.sitofp %sub3A_312 : vector<16xi32> to vector<16xf32>
    %and3A_314 = arith.constant 8388607 : i32
    %and3A_315 = vector.broadcast %and3A_314 : i32 to vector<16xi32>
    %and3A_316 = arith.andi %bitcast3A_306, %and3A_315 : vector<16xi32>
    %or3A_317 = arith.constant 1065353216 : i32
    %or3A_318 = vector.broadcast %or3A_317 : i32 to vector<16xi32>
    %or3A_319 = arith.ori %and3A_316, %or3A_318 : vector<16xi32>
    %bitcast3A_320 = vector.bitcast %or3A_319 : vector<16xi32> to vector<16xf32>
    %mul3A_321 = arith.constant 0.693147182 : f32
    %mul3A_322 = vector.broadcast %mul3A_321 : f32 to vector<16xf32>
    %mul3A_323 = arith.mulf %convert_element_type3A_313, %mul3A_322 : vector<16xf32>
    %sub3A_324 = arith.constant 1.000000e+00 : f32
    %sub3A_325 = vector.broadcast %sub3A_324 : f32 to vector<16xf32>
    %sub3A_326 = arith.subf %bitcast3A_320, %sub3A_325 : vector<16xf32>
    %add3A_327 = arith.constant 2.000000e+00 : f32
    %add3A_328 = vector.broadcast %add3A_327 : f32 to vector<16xf32>
    %add3A_329 = arith.addf %sub3A_326, %add3A_328 : vector<16xf32>
    %div3A_330 = arith.divf %sub3A_326, %add3A_329 : vector<16xf32>
    %mul3A_331 = arith.mulf %div3A_330, %div3A_330 : vector<16xf32>
    %mul3A_332 = arith.constant 2.000000e+00 : f32
    %mul3A_333 = vector.broadcast %mul3A_332 : f32 to vector<16xf32>
    %mul3A_334 = arith.mulf %mul3A_333, %div3A_330 : vector<16xf32>
    %mul3A_335 = arith.constant 0.111111112 : f32
    %mul3A_336 = vector.broadcast %mul3A_335 : f32 to vector<16xf32>
    %mul3A_337 = arith.mulf %mul3A_331, %mul3A_336 : vector<16xf32>
    %add3A_338 = arith.constant 0.142857149 : f32
    %add3A_339 = vector.broadcast %add3A_338 : f32 to vector<16xf32>
    %add3A_340 = arith.addf %add3A_339, %mul3A_337 : vector<16xf32>
    %mul3A_341 = arith.mulf %mul3A_331, %add3A_340 : vector<16xf32>
    %add3A_342 = arith.constant 2.000000e-01 : f32
    %add3A_343 = vector.broadcast %add3A_342 : f32 to vector<16xf32>
    %add3A_344 = arith.addf %add3A_343, %mul3A_341 : vector<16xf32>
    %mul3A_345 = arith.mulf %mul3A_331, %add3A_344 : vector<16xf32>
    %add3A_346 = arith.constant 0.333333343 : f32
    %add3A_347 = vector.broadcast %add3A_346 : f32 to vector<16xf32>
    %add3A_348 = arith.addf %add3A_347, %mul3A_345 : vector<16xf32>
    %mul3A_349 = arith.mulf %mul3A_331, %add3A_348 : vector<16xf32>
    %add3A_350 = arith.constant 1.000000e+00 : f32
    %add3A_351 = vector.broadcast %add3A_350 : f32 to vector<16xf32>
    %add3A_352 = arith.addf %add3A_351, %mul3A_349 : vector<16xf32>
    %mul3A_353 = arith.mulf %mul3A_334, %add3A_352 : vector<16xf32>
    %add3A_354 = arith.addf %mul3A_323, %mul3A_353 : vector<16xf32>
    %swap3A_355 = arith.constant 32 : index
    %swap3A_356 = tpu.vector_load %arg6[%swap3A_355] {strides = array<i32>} : memref<64xf32, #tpu.memory_space<vmem>>, vector<16xf32>,
    tpu.vector_store %arg6[%swap3A_355], %add3A_354 {strides = array<i32>} : memref<64xf32, #tpu.memory_space<vmem>>, vector<16xf32>,
    %mul3A_357 = arith.mulf %add3A_190, %div3A_198 : vector<16xf32>
    %add3A_358 = arith.constant 1.000000e-10 : f32
    %add3A_359 = vector.broadcast %add3A_358 : f32 to vector<16xf32>
    %add3A_360 = arith.addf %mul3A_357, %add3A_359 : vector<16xf32>
    %bitcast3A_361 = vector.bitcast %add3A_360 : vector<16xf32> to vector<16xi32>
    %shift_right_arithmetic3A_362 = arith.constant 23 : i32
    %shift_right_arithmetic3A_363 = vector.broadcast %shift_right_arithmetic3A_362 : i32 to vector<16xi32>
    %shift_right_arithmetic3A_364 = arith.shrsi %bitcast3A_361, %shift_right_arithmetic3A_363 : vector<16xi32>
    %sub3A_365 = arith.constant 127 : i32
    %sub3A_366 = vector.broadcast %sub3A_365 : i32 to vector<16xi32>
    %sub3A_367 = arith.subi %shift_right_arithmetic3A_364, %sub3A_366 : vector<16xi32>
    %convert_element_type3A_368 = arith.sitofp %sub3A_367 : vector<16xi32> to vector<16xf32>
    %and3A_369 = arith.constant 8388607 : i32
    %and3A_370 = vector.broadcast %and3A_369 : i32 to vector<16xi32>
    %and3A_371 = arith.andi %bitcast3A_361, %and3A_370 : vector<16xi32>
    %or3A_372 = arith.constant 1065353216 : i32
    %or3A_373 = vector.broadcast %or3A_372 : i32 to vector<16xi32>
    %or3A_374 = arith.ori %and3A_371, %or3A_373 : vector<16xi32>
    %bitcast3A_375 = vector.bitcast %or3A_374 : vector<16xi32> to vector<16xf32>
    %mul3A_376 = arith.constant 0.693147182 : f32
    %mul3A_377 = vector.broadcast %mul3A_376 : f32 to vector<16xf32>
    %mul3A_378 = arith.mulf %convert_element_type3A_368, %mul3A_377 : vector<16xf32>
    %sub3A_379 = arith.constant 1.000000e+00 : f32
    %sub3A_380 = vector.broadcast %sub3A_379 : f32 to vector<16xf32>
    %sub3A_381 = arith.subf %bitcast3A_375, %sub3A_380 : vector<16xf32>
    %add3A_382 = arith.constant 2.000000e+00 : f32
    %add3A_383 = vector.broadcast %add3A_382 : f32 to vector<16xf32>
    %add3A_384 = arith.addf %sub3A_381, %add3A_383 : vector<16xf32>
    %div3A_385 = arith.divf %sub3A_381, %add3A_384 : vector<16xf32>
    %mul3A_386 = arith.mulf %div3A_385, %div3A_385 : vector<16xf32>
    %mul3A_387 = arith.constant 2.000000e+00 : f32
    %mul3A_388 = vector.broadcast %mul3A_387 : f32 to vector<16xf32>
    %mul3A_389 = arith.mulf %mul3A_388, %div3A_385 : vector<16xf32>
    %mul3A_390 = arith.constant 0.111111112 : f32
    %mul3A_391 = vector.broadcast %mul3A_390 : f32 to vector<16xf32>
    %mul3A_392 = arith.mulf %mul3A_386, %mul3A_391 : vector<16xf32>
    %add3A_393 = arith.constant 0.142857149 : f32
    %add3A_394 = vector.broadcast %add3A_393 : f32 to vector<16xf32>
    %add3A_395 = arith.addf %add3A_394, %mul3A_392 : vector<16xf32>
    %mul3A_396 = arith.mulf %mul3A_386, %add3A_395 : vector<16xf32>
    %add3A_397 = arith.constant 2.000000e-01 : f32
    %add3A_398 = vector.broadcast %add3A_397 : f32 to vector<16xf32>
    %add3A_399 = arith.addf %add3A_398, %mul3A_396 : vector<16xf32>
    %mul3A_400 = arith.mulf %mul3A_386, %add3A_399 : vector<16xf32>
    %add3A_401 = arith.constant 0.333333343 : f32
    %add3A_402 = vector.broadcast %add3A_401 : f32 to vector<16xf32>
    %add3A_403 = arith.addf %add3A_402, %mul3A_400 : vector<16xf32>
    %mul3A_404 = arith.mulf %mul3A_386, %add3A_403 : vector<16xf32>
    %add3A_405 = arith.constant 1.000000e+00 : f32
    %add3A_406 = vector.broadcast %add3A_405 : f32 to vector<16xf32>
    %add3A_407 = arith.addf %add3A_406, %mul3A_404 : vector<16xf32>
    %mul3A_408 = arith.mulf %mul3A_389, %add3A_407 : vector<16xf32>
    %add3A_409 = arith.addf %mul3A_378, %mul3A_408 : vector<16xf32>
    %swap3A_410 = arith.constant 48 : index
    %swap3A_411 = tpu.vector_load %arg6[%swap3A_410] {strides = array<i32>} : memref<64xf32, #tpu.memory_space<vmem>>, vector<16xf32>,
    tpu.vector_store %arg6[%swap3A_410], %add3A_409 {strides = array<i32>} : memref<64xf32, #tpu.memory_space<vmem>>, vector<16xf32>,
    %scan3A = arith.constant 0 : i32
    %scan3A_412 = arith.constant 0 : i32
    %scan3A_413 = arith.constant 8 : i32
    %scan3A_414 = arith.addi %scan3A_412, %scan3A_413 : i32
    %scan3A_415 = arith.constant 1 : i32
    scf.for %scan3A_432 = %scan3A_412 to %scan3A_414 step %scan3A_415  : i32 {
      %mul3A_433 = arith.constant 4 : i32
      %mul3A_434 = arith.muli %scan3A_432, %mul3A_433 : i32
      %add3A_435 = arith.constant 0 : i32
      %add3A_436 = arith.addi %mul3A_434, %add3A_435 : i32
      %mul3A_437 = arith.constant 8192 : i32
      %mul3A_438 = arith.muli %add3A_436, %mul3A_437 : i32
      %add3A_439 = arith.addi %mul3A_2, %mul3A_438 : i32
      %dma_wait3A_440 = tpu.memref_slice %arg2[%add3A_439] : memref<8388608xf32, #tpu.memory_space<hbm>> -> memref<8192xf32, #tpu.memory_space<hbm>>
      %dma_wait3A_441 = tpu.memref_slice %arg2[%add3A_439] : memref<8388608xf32, #tpu.memory_space<hbm>> -> memref<8192xf32, #tpu.memory_space<hbm>>
      tpu.wait_dma2 semaphore(%arg15 : memref<!tpu.dma_semaphore, #tpu.memory_space<semaphore_mem>>) src(%dma_wait3A_441 : memref<8192xf32, #tpu.memory_space<hbm>>) dst(%arg7 : memref<8192xf32, #tpu.memory_space<vmem>>)
      %gt3A = arith.constant 0 : i32
      %gt3A_442 = arith.cmpi sgt, %scan3A_432, %gt3A : i32
      %convert_element_type3A_443 = arith.extui %gt3A_442 : i1 to i32
      %cond3A = arith.constant 0 : i32
      %cond3A_444 = arith.cmpi ne, %convert_element_type3A_443, %cond3A : i32
      scf.if %cond3A_444 {
        %dma_wait3A_533 = tpu.memref_slice %arg4[%add3A_439] : memref<8388608xf32, #tpu.memory_space<hbm>> -> memref<8192xf32, #tpu.memory_space<hbm>>
        %dma_wait3A_534 = tpu.memref_slice %arg4[%add3A_439] : memref<8388608xf32, #tpu.memory_space<hbm>> -> memref<8192xf32, #tpu.memory_space<hbm>>
        tpu.wait_dma2 semaphore(%arg19 : memref<!tpu.dma_semaphore, #tpu.memory_space<semaphore_mem>>) src(%arg11 : memref<8192xf32, #tpu.memory_space<vmem>>) dst(%dma_wait3A_534 : memref<8192xf32, #tpu.memory_space<hbm>>)
      } else {
      }
      %parallel_loop3A = arith.constant 0 : i32
      %parallel_loop3A_445 = arith.constant 512 : i32
      %parallel_loop3A_446 = arith.constant 1 : i32
      scf.for %parallel_loop3A_533 = %parallel_loop3A to %parallel_loop3A_445 step %parallel_loop3A_446  : i32 {
        %parallel_loop3A_534 = arith.constant 16 : i32
        %parallel_loop3A_535 = arith.muli %parallel_loop3A_533, %parallel_loop3A_534 : i32
        %parallel_loop3A_536 = arith.index_cast %parallel_loop3A_535 : i32 to index
        %parallel_loop3A_537 = tpu.vector_load %arg7[%parallel_loop3A_536] {strides = array<i32>} : memref<8192xf32, #tpu.memory_space<vmem>>, vector<16xf32>,
        %parallel_loop3A_538 = arith.constant 6.400000e+01 : f32
        %parallel_loop3A_539 = vector.broadcast %parallel_loop3A_538 : f32 to vector<16xf32>
        %parallel_loop3A_540 = arith.mulf %parallel_loop3A_537, %parallel_loop3A_539 : vector<16xf32>
        %parallel_loop3A_541 = arith.fptosi %parallel_loop3A_540 : vector<16xf32> to vector<16xi32>
        %parallel_loop3A_542 = arith.constant 0 : i32
        %parallel_loop3A_543 = vector.broadcast %parallel_loop3A_542 : i32 to vector<16xi32>
        %parallel_loop3A_544 = arith.maxsi %parallel_loop3A_541, %parallel_loop3A_543 : vector<16xi32>
        %parallel_loop3A_545 = arith.constant 63 : i32
        %parallel_loop3A_546 = vector.broadcast %parallel_loop3A_545 : i32 to vector<16xi32>
        %parallel_loop3A_547 = arith.minsi %parallel_loop3A_544, %parallel_loop3A_546 : vector<16xi32>
        %parallel_loop3A_548 = tpu.vector_load_idx %arg6[%parallel_loop3A_547] : memref<64xf32, #tpu.memory_space<vmem>>[vector<16xi32>], vector<16xf32>,
        %parallel_loop3A_549 = arith.constant 16 : i32
        %parallel_loop3A_550 = arith.muli %parallel_loop3A_533, %parallel_loop3A_549 : i32
        %parallel_loop3A_551 = arith.index_cast %parallel_loop3A_550 : i32 to index
        %parallel_loop3A_552 = tpu.vector_load %arg11[%parallel_loop3A_551] {strides = array<i32>} : memref<8192xf32, #tpu.memory_space<vmem>>, vector<16xf32>,
        tpu.vector_store %arg11[%parallel_loop3A_551], %parallel_loop3A_548 {strides = array<i32>} : memref<8192xf32, #tpu.memory_space<vmem>>, vector<16xf32>,
      } {sc.loop_unroll_factor = 16 : i64, sc.parallel_access}
      %dma_start3A_447 = tpu.memref_slice %arg4[%add3A_439] : memref<8388608xf32, #tpu.memory_space<hbm>> -> memref<8192xf32, #tpu.memory_space<hbm>>
      %dma_start3A_448 = tpu.memref_slice %arg4[%add3A_439] : memref<8388608xf32, #tpu.memory_space<hbm>> -> memref<8192xf32, #tpu.memory_space<hbm>>
      tpu.enqueue_dma source(%arg11 : memref<8192xf32, #tpu.memory_space<vmem>>) target(%dma_start3A_448 : memref<8192xf32, #tpu.memory_space<hbm>>) target_semaphore(%arg19 : memref<!tpu.dma_semaphore, #tpu.memory_space<semaphore_mem>>)
      %add3A_449 = arith.constant 4 : i32
      %add3A_450 = arith.addi %add3A_436, %add3A_449 : i32
      %lt3A = arith.constant 32 : i32
      %lt3A_451 = arith.cmpi slt, %add3A_450, %lt3A : i32
      %convert_element_type3A_452 = arith.extui %lt3A_451 : i1 to i32
      %cond3A_453 = arith.constant 0 : i32
      %cond3A_454 = arith.cmpi ne, %convert_element_type3A_452, %cond3A_453 : i32
      scf.if %cond3A_454 {
        %add3A_533 = arith.constant 32768 : i32
        %add3A_534 = arith.addi %add3A_439, %add3A_533 : i32
        %dma_start3A_535 = tpu.memref_slice %arg2[%add3A_534] : memref<8388608xf32, #tpu.memory_space<hbm>> -> memref<8192xf32, #tpu.memory_space<hbm>>
        %dma_start3A_536 = tpu.memref_slice %arg2[%add3A_534] : memref<8388608xf32, #tpu.memory_space<hbm>> -> memref<8192xf32, #tpu.memory_space<hbm>>
        tpu.enqueue_dma source(%dma_start3A_536 : memref<8192xf32, #tpu.memory_space<hbm>>) target(%arg7 : memref<8192xf32, #tpu.memory_space<vmem>>) target_semaphore(%arg15 : memref<!tpu.dma_semaphore, #tpu.memory_space<semaphore_mem>>)
      } else {
      }
      %mul3A_455 = arith.constant 4 : i32
      %mul3A_456 = arith.muli %scan3A_432, %mul3A_455 : i32
      %add3A_457 = arith.constant 1 : i32
      %add3A_458 = arith.addi %mul3A_456, %add3A_457 : i32
      %mul3A_459 = arith.constant 8192 : i32
      %mul3A_460 = arith.muli %add3A_458, %mul3A_459 : i32
      %add3A_461 = arith.addi %mul3A_2, %mul3A_460 : i32
      %dma_wait3A_462 = tpu.memref_slice %arg2[%add3A_461] : memref<8388608xf32, #tpu.memory_space<hbm>> -> memref<8192xf32, #tpu.memory_space<hbm>>
      %dma_wait3A_463 = tpu.memref_slice %arg2[%add3A_461] : memref<8388608xf32, #tpu.memory_space<hbm>> -> memref<8192xf32, #tpu.memory_space<hbm>>
      tpu.wait_dma2 semaphore(%arg16 : memref<!tpu.dma_semaphore, #tpu.memory_space<semaphore_mem>>) src(%dma_wait3A_463 : memref<8192xf32, #tpu.memory_space<hbm>>) dst(%arg8 : memref<8192xf32, #tpu.memory_space<vmem>>)
      %gt3A_464 = arith.constant 0 : i32
      %gt3A_465 = arith.cmpi sgt, %scan3A_432, %gt3A_464 : i32
      %convert_element_type3A_466 = arith.extui %gt3A_465 : i1 to i32
      %cond3A_467 = arith.constant 0 : i32
      %cond3A_468 = arith.cmpi ne, %convert_element_type3A_466, %cond3A_467 : i32
      scf.if %cond3A_468 {
        %dma_wait3A_533 = tpu.memref_slice %arg4[%add3A_461] : memref<8388608xf32, #tpu.memory_space<hbm>> -> memref<8192xf32, #tpu.memory_space<hbm>>
        %dma_wait3A_534 = tpu.memref_slice %arg4[%add3A_461] : memref<8388608xf32, #tpu.memory_space<hbm>> -> memref<8192xf32, #tpu.memory_space<hbm>>
        tpu.wait_dma2 semaphore(%arg20 : memref<!tpu.dma_semaphore, #tpu.memory_space<semaphore_mem>>) src(%arg12 : memref<8192xf32, #tpu.memory_space<vmem>>) dst(%dma_wait3A_534 : memref<8192xf32, #tpu.memory_space<hbm>>)
      } else {
      }
      %parallel_loop3A_469 = arith.constant 0 : i32
      %parallel_loop3A_470 = arith.constant 512 : i32
      %parallel_loop3A_471 = arith.constant 1 : i32
      scf.for %parallel_loop3A_533 = %parallel_loop3A_469 to %parallel_loop3A_470 step %parallel_loop3A_471  : i32 {
        %parallel_loop3A_534 = arith.constant 16 : i32
        %parallel_loop3A_535 = arith.muli %parallel_loop3A_533, %parallel_loop3A_534 : i32
        %parallel_loop3A_536 = arith.index_cast %parallel_loop3A_535 : i32 to index
        %parallel_loop3A_537 = tpu.vector_load %arg8[%parallel_loop3A_536] {strides = array<i32>} : memref<8192xf32, #tpu.memory_space<vmem>>, vector<16xf32>,
        %parallel_loop3A_538 = arith.constant 6.400000e+01 : f32
        %parallel_loop3A_539 = vector.broadcast %parallel_loop3A_538 : f32 to vector<16xf32>
        %parallel_loop3A_540 = arith.mulf %parallel_loop3A_537, %parallel_loop3A_539 : vector<16xf32>
        %parallel_loop3A_541 = arith.fptosi %parallel_loop3A_540 : vector<16xf32> to vector<16xi32>
        %parallel_loop3A_542 = arith.constant 0 : i32
        %parallel_loop3A_543 = vector.broadcast %parallel_loop3A_542 : i32 to vector<16xi32>
        %parallel_loop3A_544 = arith.maxsi %parallel_loop3A_541, %parallel_loop3A_543 : vector<16xi32>
        %parallel_loop3A_545 = arith.constant 63 : i32
        %parallel_loop3A_546 = vector.broadcast %parallel_loop3A_545 : i32 to vector<16xi32>
        %parallel_loop3A_547 = arith.minsi %parallel_loop3A_544, %parallel_loop3A_546 : vector<16xi32>
        %parallel_loop3A_548 = tpu.vector_load_idx %arg6[%parallel_loop3A_547] : memref<64xf32, #tpu.memory_space<vmem>>[vector<16xi32>], vector<16xf32>,
        %parallel_loop3A_549 = arith.constant 16 : i32
        %parallel_loop3A_550 = arith.muli %parallel_loop3A_533, %parallel_loop3A_549 : i32
        %parallel_loop3A_551 = arith.index_cast %parallel_loop3A_550 : i32 to index
        %parallel_loop3A_552 = tpu.vector_load %arg12[%parallel_loop3A_551] {strides = array<i32>} : memref<8192xf32, #tpu.memory_space<vmem>>, vector<16xf32>,
        tpu.vector_store %arg12[%parallel_loop3A_551], %parallel_loop3A_548 {strides = array<i32>} : memref<8192xf32, #tpu.memory_space<vmem>>, vector<16xf32>,
      } {sc.loop_unroll_factor = 16 : i64, sc.parallel_access}
      %dma_start3A_472 = tpu.memref_slice %arg4[%add3A_461] : memref<8388608xf32, #tpu.memory_space<hbm>> -> memref<8192xf32, #tpu.memory_space<hbm>>
      %dma_start3A_473 = tpu.memref_slice %arg4[%add3A_461] : memref<8388608xf32, #tpu.memory_space<hbm>> -> memref<8192xf32, #tpu.memory_space<hbm>>
      tpu.enqueue_dma source(%arg12 : memref<8192xf32, #tpu.memory_space<vmem>>) target(%dma_start3A_473 : memref<8192xf32, #tpu.memory_space<hbm>>) target_semaphore(%arg20 : memref<!tpu.dma_semaphore, #tpu.memory_space<semaphore_mem>>)
      %add3A_474 = arith.constant 4 : i32
      %add3A_475 = arith.addi %add3A_458, %add3A_474 : i32
      %lt3A_476 = arith.constant 32 : i32
      %lt3A_477 = arith.cmpi slt, %add3A_475, %lt3A_476 : i32
      %convert_element_type3A_478 = arith.extui %lt3A_477 : i1 to i32
      %cond3A_479 = arith.constant 0 : i32
      %cond3A_480 = arith.cmpi ne, %convert_element_type3A_478, %cond3A_479 : i32
      scf.if %cond3A_480 {
        %add3A_533 = arith.constant 32768 : i32
        %add3A_534 = arith.addi %add3A_461, %add3A_533 : i32
        %dma_start3A_535 = tpu.memref_slice %arg2[%add3A_534] : memref<8388608xf32, #tpu.memory_space<hbm>> -> memref<8192xf32, #tpu.memory_space<hbm>>
        %dma_start3A_536 = tpu.memref_slice %arg2[%add3A_534] : memref<8388608xf32, #tpu.memory_space<hbm>> -> memref<8192xf32, #tpu.memory_space<hbm>>
        tpu.enqueue_dma source(%dma_start3A_536 : memref<8192xf32, #tpu.memory_space<hbm>>) target(%arg8 : memref<8192xf32, #tpu.memory_space<vmem>>) target_semaphore(%arg16 : memref<!tpu.dma_semaphore, #tpu.memory_space<semaphore_mem>>)
      } else {
      }
      %mul3A_481 = arith.constant 4 : i32
      %mul3A_482 = arith.muli %scan3A_432, %mul3A_481 : i32
      %add3A_483 = arith.constant 2 : i32
      %add3A_484 = arith.addi %mul3A_482, %add3A_483 : i32
      %mul3A_485 = arith.constant 8192 : i32
      %mul3A_486 = arith.muli %add3A_484, %mul3A_485 : i32
      %add3A_487 = arith.addi %mul3A_2, %mul3A_486 : i32
      %dma_wait3A_488 = tpu.memref_slice %arg2[%add3A_487] : memref<8388608xf32, #tpu.memory_space<hbm>> -> memref<8192xf32, #tpu.memory_space<hbm>>
      %dma_wait3A_489 = tpu.memref_slice %arg2[%add3A_487] : memref<8388608xf32, #tpu.memory_space<hbm>> -> memref<8192xf32, #tpu.memory_space<hbm>>
      tpu.wait_dma2 semaphore(%arg17 : memref<!tpu.dma_semaphore, #tpu.memory_space<semaphore_mem>>) src(%dma_wait3A_489 : memref<8192xf32, #tpu.memory_space<hbm>>) dst(%arg9 : memref<8192xf32, #tpu.memory_space<vmem>>)
      %gt3A_490 = arith.constant 0 : i32
      %gt3A_491 = arith.cmpi sgt, %scan3A_432, %gt3A_490 : i32
      %convert_element_type3A_492 = arith.extui %gt3A_491 : i1 to i32
      %cond3A_493 = arith.constant 0 : i32
      %cond3A_494 = arith.cmpi ne, %convert_element_type3A_492, %cond3A_493 : i32
      scf.if %cond3A_494 {
        %dma_wait3A_533 = tpu.memref_slice %arg4[%add3A_487] : memref<8388608xf32, #tpu.memory_space<hbm>> -> memref<8192xf32, #tpu.memory_space<hbm>>
        %dma_wait3A_534 = tpu.memref_slice %arg4[%add3A_487] : memref<8388608xf32, #tpu.memory_space<hbm>> -> memref<8192xf32, #tpu.memory_space<hbm>>
        tpu.wait_dma2 semaphore(%arg21 : memref<!tpu.dma_semaphore, #tpu.memory_space<semaphore_mem>>) src(%arg13 : memref<8192xf32, #tpu.memory_space<vmem>>) dst(%dma_wait3A_534 : memref<8192xf32, #tpu.memory_space<hbm>>)
      } else {
      }
      %parallel_loop3A_495 = arith.constant 0 : i32
      %parallel_loop3A_496 = arith.constant 512 : i32
      %parallel_loop3A_497 = arith.constant 1 : i32
      scf.for %parallel_loop3A_533 = %parallel_loop3A_495 to %parallel_loop3A_496 step %parallel_loop3A_497  : i32 {
        %parallel_loop3A_534 = arith.constant 16 : i32
        %parallel_loop3A_535 = arith.muli %parallel_loop3A_533, %parallel_loop3A_534 : i32
        %parallel_loop3A_536 = arith.index_cast %parallel_loop3A_535 : i32 to index
        %parallel_loop3A_537 = tpu.vector_load %arg9[%parallel_loop3A_536] {strides = array<i32>} : memref<8192xf32, #tpu.memory_space<vmem>>, vector<16xf32>,
        %parallel_loop3A_538 = arith.constant 6.400000e+01 : f32
        %parallel_loop3A_539 = vector.broadcast %parallel_loop3A_538 : f32 to vector<16xf32>
        %parallel_loop3A_540 = arith.mulf %parallel_loop3A_537, %parallel_loop3A_539 : vector<16xf32>
        %parallel_loop3A_541 = arith.fptosi %parallel_loop3A_540 : vector<16xf32> to vector<16xi32>
        %parallel_loop3A_542 = arith.constant 0 : i32
        %parallel_loop3A_543 = vector.broadcast %parallel_loop3A_542 : i32 to vector<16xi32>
        %parallel_loop3A_544 = arith.maxsi %parallel_loop3A_541, %parallel_loop3A_543 : vector<16xi32>
        %parallel_loop3A_545 = arith.constant 63 : i32
        %parallel_loop3A_546 = vector.broadcast %parallel_loop3A_545 : i32 to vector<16xi32>
        %parallel_loop3A_547 = arith.minsi %parallel_loop3A_544, %parallel_loop3A_546 : vector<16xi32>
        %parallel_loop3A_548 = tpu.vector_load_idx %arg6[%parallel_loop3A_547] : memref<64xf32, #tpu.memory_space<vmem>>[vector<16xi32>], vector<16xf32>,
        %parallel_loop3A_549 = arith.constant 16 : i32
        %parallel_loop3A_550 = arith.muli %parallel_loop3A_533, %parallel_loop3A_549 : i32
        %parallel_loop3A_551 = arith.index_cast %parallel_loop3A_550 : i32 to index
        %parallel_loop3A_552 = tpu.vector_load %arg13[%parallel_loop3A_551] {strides = array<i32>} : memref<8192xf32, #tpu.memory_space<vmem>>, vector<16xf32>,
        tpu.vector_store %arg13[%parallel_loop3A_551], %parallel_loop3A_548 {strides = array<i32>} : memref<8192xf32, #tpu.memory_space<vmem>>, vector<16xf32>,
      } {sc.loop_unroll_factor = 16 : i64, sc.parallel_access}
      %dma_start3A_498 = tpu.memref_slice %arg4[%add3A_487] : memref<8388608xf32, #tpu.memory_space<hbm>> -> memref<8192xf32, #tpu.memory_space<hbm>>
      %dma_start3A_499 = tpu.memref_slice %arg4[%add3A_487] : memref<8388608xf32, #tpu.memory_space<hbm>> -> memref<8192xf32, #tpu.memory_space<hbm>>
      tpu.enqueue_dma source(%arg13 : memref<8192xf32, #tpu.memory_space<vmem>>) target(%dma_start3A_499 : memref<8192xf32, #tpu.memory_space<hbm>>) target_semaphore(%arg21 : memref<!tpu.dma_semaphore, #tpu.memory_space<semaphore_mem>>)
      %add3A_500 = arith.constant 4 : i32
      %add3A_501 = arith.addi %add3A_484, %add3A_500 : i32
      %lt3A_502 = arith.constant 32 : i32
      %lt3A_503 = arith.cmpi slt, %add3A_501, %lt3A_502 : i32
      %convert_element_type3A_504 = arith.extui %lt3A_503 : i1 to i32
      %cond3A_505 = arith.constant 0 : i32
      %cond3A_506 = arith.cmpi ne, %convert_element_type3A_504, %cond3A_505 : i32
      scf.if %cond3A_506 {
        %add3A_533 = arith.constant 32768 : i32
        %add3A_534 = arith.addi %add3A_487, %add3A_533 : i32
        %dma_start3A_535 = tpu.memref_slice %arg2[%add3A_534] : memref<8388608xf32, #tpu.memory_space<hbm>> -> memref<8192xf32, #tpu.memory_space<hbm>>
        %dma_start3A_536 = tpu.memref_slice %arg2[%add3A_534] : memref<8388608xf32, #tpu.memory_space<hbm>> -> memref<8192xf32, #tpu.memory_space<hbm>>
        tpu.enqueue_dma source(%dma_start3A_536 : memref<8192xf32, #tpu.memory_space<hbm>>) target(%arg9 : memref<8192xf32, #tpu.memory_space<vmem>>) target_semaphore(%arg17 : memref<!tpu.dma_semaphore, #tpu.memory_space<semaphore_mem>>)
      } else {
      }
      %mul3A_507 = arith.constant 4 : i32
      %mul3A_508 = arith.muli %scan3A_432, %mul3A_507 : i32
      %add3A_509 = arith.constant 3 : i32
      %add3A_510 = arith.addi %mul3A_508, %add3A_509 : i32
      %mul3A_511 = arith.constant 8192 : i32
      %mul3A_512 = arith.muli %add3A_510, %mul3A_511 : i32
      %add3A_513 = arith.addi %mul3A_2, %mul3A_512 : i32
      %dma_wait3A_514 = tpu.memref_slice %arg2[%add3A_513] : memref<8388608xf32, #tpu.memory_space<hbm>> -> memref<8192xf32, #tpu.memory_space<hbm>>
      %dma_wait3A_515 = tpu.memref_slice %arg2[%add3A_513] : memref<8388608xf32, #tpu.memory_space<hbm>> -> memref<8192xf32, #tpu.memory_space<hbm>>
      tpu.wait_dma2 semaphore(%arg18 : memref<!tpu.dma_semaphore, #tpu.memory_space<semaphore_mem>>) src(%dma_wait3A_515 : memref<8192xf32, #tpu.memory_space<hbm>>) dst(%arg10 : memref<8192xf32, #tpu.memory_space<vmem>>)
      %gt3A_516 = arith.constant 0 : i32
      %gt3A_517 = arith.cmpi sgt, %scan3A_432, %gt3A_516 : i32
      %convert_element_type3A_518 = arith.extui %gt3A_517 : i1 to i32
      %cond3A_519 = arith.constant 0 : i32
      %cond3A_520 = arith.cmpi ne, %convert_element_type3A_518, %cond3A_519 : i32
      scf.if %cond3A_520 {
        %dma_wait3A_533 = tpu.memref_slice %arg4[%add3A_513] : memref<8388608xf32, #tpu.memory_space<hbm>> -> memref<8192xf32, #tpu.memory_space<hbm>>
        %dma_wait3A_534 = tpu.memref_slice %arg4[%add3A_513] : memref<8388608xf32, #tpu.memory_space<hbm>> -> memref<8192xf32, #tpu.memory_space<hbm>>
        tpu.wait_dma2 semaphore(%arg22 : memref<!tpu.dma_semaphore, #tpu.memory_space<semaphore_mem>>) src(%arg14 : memref<8192xf32, #tpu.memory_space<vmem>>) dst(%dma_wait3A_534 : memref<8192xf32, #tpu.memory_space<hbm>>)
      } else {
      }
      %parallel_loop3A_521 = arith.constant 0 : i32
      %parallel_loop3A_522 = arith.constant 512 : i32
      %parallel_loop3A_523 = arith.constant 1 : i32
      scf.for %parallel_loop3A_533 = %parallel_loop3A_521 to %parallel_loop3A_522 step %parallel_loop3A_523  : i32 {
        %parallel_loop3A_534 = arith.constant 16 : i32
        %parallel_loop3A_535 = arith.muli %parallel_loop3A_533, %parallel_loop3A_534 : i32
        %parallel_loop3A_536 = arith.index_cast %parallel_loop3A_535 : i32 to index
        %parallel_loop3A_537 = tpu.vector_load %arg10[%parallel_loop3A_536] {strides = array<i32>} : memref<8192xf32, #tpu.memory_space<vmem>>, vector<16xf32>,
        %parallel_loop3A_538 = arith.constant 6.400000e+01 : f32
        %parallel_loop3A_539 = vector.broadcast %parallel_loop3A_538 : f32 to vector<16xf32>
        %parallel_loop3A_540 = arith.mulf %parallel_loop3A_537, %parallel_loop3A_539 : vector<16xf32>
        %parallel_loop3A_541 = arith.fptosi %parallel_loop3A_540 : vector<16xf32> to vector<16xi32>
        %parallel_loop3A_542 = arith.constant 0 : i32
        %parallel_loop3A_543 = vector.broadcast %parallel_loop3A_542 : i32 to vector<16xi32>
        %parallel_loop3A_544 = arith.maxsi %parallel_loop3A_541, %parallel_loop3A_543 : vector<16xi32>
        %parallel_loop3A_545 = arith.constant 63 : i32
        %parallel_loop3A_546 = vector.broadcast %parallel_loop3A_545 : i32 to vector<16xi32>
        %parallel_loop3A_547 = arith.minsi %parallel_loop3A_544, %parallel_loop3A_546 : vector<16xi32>
        %parallel_loop3A_548 = tpu.vector_load_idx %arg6[%parallel_loop3A_547] : memref<64xf32, #tpu.memory_space<vmem>>[vector<16xi32>], vector<16xf32>,
        %parallel_loop3A_549 = arith.constant 16 : i32
        %parallel_loop3A_550 = arith.muli %parallel_loop3A_533, %parallel_loop3A_549 : i32
        %parallel_loop3A_551 = arith.index_cast %parallel_loop3A_550 : i32 to index
        %parallel_loop3A_552 = tpu.vector_load %arg14[%parallel_loop3A_551] {strides = array<i32>} : memref<8192xf32, #tpu.memory_space<vmem>>, vector<16xf32>,
        tpu.vector_store %arg14[%parallel_loop3A_551], %parallel_loop3A_548 {strides = array<i32>} : memref<8192xf32, #tpu.memory_space<vmem>>, vector<16xf32>,
      } {sc.loop_unroll_factor = 16 : i64, sc.parallel_access}
      %dma_start3A_524 = tpu.memref_slice %arg4[%add3A_513] : memref<8388608xf32, #tpu.memory_space<hbm>> -> memref<8192xf32, #tpu.memory_space<hbm>>
      %dma_start3A_525 = tpu.memref_slice %arg4[%add3A_513] : memref<8388608xf32, #tpu.memory_space<hbm>> -> memref<8192xf32, #tpu.memory_space<hbm>>
      tpu.enqueue_dma source(%arg14 : memref<8192xf32, #tpu.memory_space<vmem>>) target(%dma_start3A_525 : memref<8192xf32, #tpu.memory_space<hbm>>) target_semaphore(%arg22 : memref<!tpu.dma_semaphore, #tpu.memory_space<semaphore_mem>>)
      %add3A_526 = arith.constant 4 : i32
      %add3A_527 = arith.addi %add3A_510, %add3A_526 : i32
      %lt3A_528 = arith.constant 32 : i32
      %lt3A_529 = arith.cmpi slt, %add3A_527, %lt3A_528 : i32
      %convert_element_type3A_530 = arith.extui %lt3A_529 : i1 to i32
      %cond3A_531 = arith.constant 0 : i32
      %cond3A_532 = arith.cmpi ne, %convert_element_type3A_530, %cond3A_531 : i32
      scf.if %cond3A_532 {
        %add3A_533 = arith.constant 32768 : i32
        %add3A_534 = arith.addi %add3A_513, %add3A_533 : i32
        %dma_start3A_535 = tpu.memref_slice %arg2[%add3A_534] : memref<8388608xf32, #tpu.memory_space<hbm>> -> memref<8192xf32, #tpu.memory_space<hbm>>
        %dma_start3A_536 = tpu.memref_slice %arg2[%add3A_534] : memref<8388608xf32, #tpu.memory_space<hbm>> -> memref<8192xf32, #tpu.memory_space<hbm>>
        tpu.enqueue_dma source(%dma_start3A_536 : memref<8192xf32, #tpu.memory_space<hbm>>) target(%arg10 : memref<8192xf32, #tpu.memory_space<vmem>>) target_semaphore(%arg18 : memref<!tpu.dma_semaphore, #tpu.memory_space<semaphore_mem>>)
      } else {
      }
    }
    %scan3A_416 = arith.constant 8 : i32
    %add3A_417 = arith.constant 229376 : i32
    %add3A_418 = arith.addi %mul3A_2, %add3A_417 : i32
    %dma_wait3A = tpu.memref_slice %arg4[%add3A_418] : memref<8388608xf32, #tpu.memory_space<hbm>> -> memref<8192xf32, #tpu.memory_space<hbm>>
    %dma_wait3A_419 = tpu.memref_slice %arg4[%add3A_418] : memref<8388608xf32, #tpu.memory_space<hbm>> -> memref<8192xf32, #tpu.memory_space<hbm>>
    tpu.wait_dma2 semaphore(%arg19 : memref<!tpu.dma_semaphore, #tpu.memory_space<semaphore_mem>>) src(%arg11 : memref<8192xf32, #tpu.memory_space<vmem>>) dst(%dma_wait3A_419 : memref<8192xf32, #tpu.memory_space<hbm>>)
    %add3A_420 = arith.constant 237568 : i32
    %add3A_421 = arith.addi %mul3A_2, %add3A_420 : i32
    %dma_wait3A_422 = tpu.memref_slice %arg4[%add3A_421] : memref<8388608xf32, #tpu.memory_space<hbm>> -> memref<8192xf32, #tpu.memory_space<hbm>>
    %dma_wait3A_423 = tpu.memref_slice %arg4[%add3A_421] : memref<8388608xf32, #tpu.memory_space<hbm>> -> memref<8192xf32, #tpu.memory_space<hbm>>
    tpu.wait_dma2 semaphore(%arg20 : memref<!tpu.dma_semaphore, #tpu.memory_space<semaphore_mem>>) src(%arg12 : memref<8192xf32, #tpu.memory_space<vmem>>) dst(%dma_wait3A_423 : memref<8192xf32, #tpu.memory_space<hbm>>)
    %add3A_424 = arith.constant 245760 : i32
    %add3A_425 = arith.addi %mul3A_2, %add3A_424 : i32
    %dma_wait3A_426 = tpu.memref_slice %arg4[%add3A_425] : memref<8388608xf32, #tpu.memory_space<hbm>> -> memref<8192xf32, #tpu.memory_space<hbm>>
    %dma_wait3A_427 = tpu.memref_slice %arg4[%add3A_425] : memref<8388608xf32, #tpu.memory_space<hbm>> -> memref<8192xf32, #tpu.memory_space<hbm>>
    tpu.wait_dma2 semaphore(%arg21 : memref<!tpu.dma_semaphore, #tpu.memory_space<semaphore_mem>>) src(%arg13 : memref<8192xf32, #tpu.memory_space<vmem>>) dst(%dma_wait3A_427 : memref<8192xf32, #tpu.memory_space<hbm>>)
    %add3A_428 = arith.constant 253952 : i32
    %add3A_429 = arith.addi %mul3A_2, %add3A_428 : i32
    %dma_wait3A_430 = tpu.memref_slice %arg4[%add3A_429] : memref<8388608xf32, #tpu.memory_space<hbm>> -> memref<8192xf32, #tpu.memory_space<hbm>>
    %dma_wait3A_431 = tpu.memref_slice %arg4[%add3A_429] : memref<8388608xf32, #tpu.memory_space<hbm>> -> memref<8192xf32, #tpu.memory_space<hbm>>
    tpu.wait_dma2 semaphore(%arg22 : memref<!tpu.dma_semaphore, #tpu.memory_space<semaphore_mem>>) src(%arg14 : memref<8192xf32, #tpu.memory_space<vmem>>) dst(%dma_wait3A_431 : memref<8192xf32, #tpu.memory_space<hbm>>)
    return
  }
}

</mosaic_0001>

<sc_bundles>
// kernel: kernel.3.cloned.1.call-start
scs
__scs_entry_jumppad:
0x0: {  	(pc) =	sbr.rel $0x88, $3  }
0x1: {  	(tag) =	ssettag $0x0;
	lr =	simm.s32 $0x1  }
0x2: {  	[smem:$0x3F9F] =	sst lr;
	_ =	strace $0xD0000000  }
0x3: {  	_ = 	snop  }
0x4: {  	_ = 	snop  }
0x5: {  	_ = 	snop  }
0x6: {  	_ = 	snop  }
0x7: {  	_ = 	snop  }
__scs_overlays_trampoline_lowered:
0x8: {  	[smem:$0x3FAE] =	sst s0  }
0x9: {  	[smem:$0x3FAF] =	sst s1  }
0xa: {  	[smem:$0x3FB0] =	sst s2  }
0xb: {  	[smem:$0x3FB1] =	sst s3  }
0xc: {  	[smem:$0x3FB2] =	sst s4  }
0xd: {  	[smem:$0x3FB3] =	sst s5  }
0xe: {  	[smem:$0x3FB4] =	sst s6  }
0xf: {  	[smem:$0x3FB5] =	sst s7  }
0x10: {  	[smem:$0x3FB6] =	sst s8  }
0x11: {  	[smem:$0x3FB7] =	sst s9;
	s0 =	simm.s32 @!p0 $0x0  }
0x12: {  	s1 =	sld [smem:$0x3F9D];
	s0 =	simm.s32 @p0 $0x1  }
0x13: {  	[smem:$0x3FB8] =	sst s0;
	s0 =	simm.s32 @!p1 $0x0  }
0x14: {  	s2 =	sld [smem:$0x3F9C];
	s0 =	simm.s32 @p1 $0x1  }
0x15: {  	[smem:$0x3FB9] =	sst s0;
	s0 =	simm.s32 @!p2 $0x0  }
0x16: {  	s3 =	sld [smem:$0x3FDB];
	s0 =	simm.s32 @p2 $0x1  }
0x17: {  	s4 =	simm.s32 $0x1BF5;
	[smem:$0x3FBB] =	sst s0  }
0x18: {  	s0 =	sld [smem:$0x3F9E];
	_ =	swait.ge [sflag:s4], $0x0  }
0x19: {  	s7 =	sld [smem:$0x3F9F]  }
0x1a: {  	s8 =	sadd.s32 $0xFFFFE003, lr  }
0x1b: {  	s9 =	sadd.s32 $0xFFFFFEF7, lr;
	s5 =	simm.s32 $0xFFFFFFFF;
	p2 =	slt.u32 s8, $0xFFFFF086  }
0x1c: {  	p1 =	slt.u32 s9, $0xF7A;
	s5 =	simm.s32 @!p2 $0x0  }
0x1d: {  	s5 =	simm.s32 @p1 $0x1;
	p0 =	seq.s32 s7, s2  }
0x1e: {  	s7 =	smul.u32 @!p0 $0xF7A, s2;
	p2 =	seq.s32 @!p0 s5, $0x0  }
0x1f: {  	s9 =	smul.u32 $0xF7A, s1;
	s8 =	simm.s32 @!p0 $0x1BF5;
	p2 =	por !p2, p0  }
0x20: {  	[sflag:s8] =	ssyncset.s32 @!p0 $0xFFFFF086;
	s6 =	sadd.s32 @!p0 s3, s7;
	s7 =	simm.s32 @!p0 $0x108  }
0x21: {  	s3 =	sadd.s32 s3, s9;
	s6 =	sadd.s32 @!p0 $0x88, s6;
	s7 =	simm.s32 @p2 $0x1082  }
0x22: {  	[simem:s7], [sflag:s8] =	dma.local @!p0 [hbm:s6], $0xF7A  }
0x23: {  	s9 =	sor.u32 $0xD0000000, s2;
	s6 =	simm.s32 $0x108;
	_ =	swait.ge @!p0 [sflag:s8], $0x0  }
0x24: {  	s3 =	sadd.s32 $0x88, s3;
	s6 =	simm.s32 @!p1 $0x1082;
	[sflag:s4] =	ssyncset.s32 $0xFFFFF086  }
0x25: {  	[simem:s6], [sflag:s4] =	dma.local [hbm:s3], $0xF7A  }
0x26: {  	[smem:$0x3F9F] =	sst s1;
	(tag) =	ssettag s2;
	_ =	strace s9  }
0x27: {  	s1 =	sld [smem:$0x3FAF]  }
0x28: {  	s2 =	sld [smem:$0x3FB0]  }
0x29: {  	s4 =	sld [smem:$0x3FB2]  }
0x2a: {  	p0 =	seq.s32 s5, $0x0;
	s5 =	sld [smem:$0x3FB3]  }
0x2b: {  	s6 =	sld [smem:$0x3FB4]  }
0x2c: {  	s7 =	sld [smem:$0x3FB5]  }
0x2d: {  	s3 =	simm.s32 $0x108;
	s8 =	sld [smem:$0x3FB6]  }
0x2e: {  	s3 =	simm.s32 @!p0 $0x1082;
	s9 =	sld [smem:$0x3FB7]  }
0x2f: {  	lr =	sadd.s32 s0, s3;
	s0 =	sld [smem:$0x3FAE]  }
0x30: {  	s3 =	sld [smem:$0x3FB1]  }
0x31: {  	[smem:$0x3FBA] =	sst s10  }
0x32: {  	s10 =	sld [smem:$0x3FB8];
	_ =	sdelay $0x3  }
0x33: {  	p0 =	seq.s32 s10, $0x1;
	s10 =	sld [smem:$0x3FBA];
	_ =	sdelay $0x3  }
0x34: {  	[smem:$0x3FBA] =	sst s10  }
0x35: {  	s10 =	sld [smem:$0x3FB9];
	_ =	sdelay $0x3  }
0x36: {  	p1 =	seq.s32 s10, $0x1;
	s10 =	sld [smem:$0x3FBA];
	_ =	sdelay $0x3  }
0x37: {  	[smem:$0x3FBA] =	sst s10  }
0x38: {  	s10 =	sld [smem:$0x3FBB]  }
0x39: {  	_ = 	snop;
	(pc) =	sbr.ind lr, $3  }
0x3a: {  	_ = 	snop  }
0x3b: {  	_ = 	snop  }
0x3c: {  	p2 =	seq.s32 s10, $0x1;
	s10 =	sld [smem:$0x3FBA]  }
0x3d: {  	_ =	shalt  }
0x3e: {  	_ =	shalt  }
0x3f: {  	_ =	shalt  }
0x40: {  	_ =	shalt  }
0x41: {  	_ =	shalt  }
0x42: {  	_ =	shalt  }
0x43: {  	_ =	shalt  }
0x44: {  	_ =	shalt  }
0x45: {  	_ =	shalt  }
0x46: {  	_ =	shalt  }
0x47: {  	_ =	shalt  }
0x48: {  	_ =	shalt  }
0x49: {  	_ =	shalt  }
0x4a: {  	_ =	shalt  }
0x4b: {  	_ =	shalt  }
0x4c: {  	_ =	shalt  }
0x4d: {  	_ =	shalt  }
0x4e: {  	_ =	shalt  }
0x4f: {  	_ =	shalt  }
0x50: {  	_ =	shalt  }
0x51: {  	_ =	shalt  }
0x52: {  	_ =	shalt  }
0x53: {  	_ =	shalt  }
0x54: {  	_ =	shalt  }
0x55: {  	_ =	shalt  }
0x56: {  	_ =	shalt  }
0x57: {  	_ =	shalt  }
0x58: {  	_ =	shalt  }
0x59: {  	_ =	shalt  }
0x5a: {  	_ =	shalt  }
0x5b: {  	_ =	shalt  }
0x5c: {  	_ =	shalt  }
0x5d: {  	_ =	shalt  }
0x5e: {  	_ =	shalt  }
0x5f: {  	_ =	shalt  }
0x60: {  	_ =	shalt  }
0x61: {  	_ =	shalt  }
0x62: {  	_ =	shalt  }
0x63: {  	_ =	shalt  }
0x64: {  	_ =	shalt  }
0x65: {  	_ =	shalt  }
0x66: {  	_ =	shalt  }
0x67: {  	_ =	shalt  }
0x68: {  	_ =	shalt  }
0x69: {  	_ =	shalt  }
0x6a: {  	_ =	shalt  }
0x6b: {  	_ =	shalt  }
0x6c: {  	_ =	shalt  }
0x6d: {  	_ =	shalt  }
0x6e: {  	_ =	shalt  }
0x6f: {  	_ =	shalt  }
0x70: {  	_ =	shalt  }
0x71: {  	_ =	shalt  }
0x72: {  	_ =	shalt  }
0x73: {  	_ =	shalt  }
0x74: {  	_ =	shalt  }
0x75: {  	_ =	shalt  }
0x76: {  	_ =	shalt  }
0x77: {  	_ =	shalt  }
0x78: {  	_ =	shalt  }
0x79: {  	_ =	shalt  }
0x7a: {  	_ =	shalt  }
0x7b: {  	_ =	shalt  }
0x7c: {  	_ =	shalt  }
0x7d: {  	_ =	shalt  }
0x7e: {  	_ =	shalt  }
0x7f: {  	_ =	shalt  }
0x80: {  	_ =	shalt  }
0x81: {  	_ =	shalt  }
0x82: {  	_ =	shalt  }
0x83: {  	_ =	shalt  }
0x84: {  	_ =	shalt  }
0x85: {  	_ =	shalt  }
0x86: {  	_ =	shalt  }
0x87: {  	_ =	shalt  }
.Lfunc_end0:
.L_simem_size_0:
called_computation_lowered:
.L_overlay_start_0:
0x88: {  	s2 =	sld [smem:$0x3FD9]  }
0x89: {  	s3 =	sld [smem:$0x3FFE];
	_ =	sdelay $0x1  }
0x8a: {  	s1 =	srdreg.scid  }
0x8b: {  	s0 =	sand.u32 $0x1, s1  }
0x8c: {  	s18 =	sshll.u32 s0, $0xA;
	s2 =	sadd.s32 s3, s2  }
0x8d: {  	s2 =	sadd.s32 s2, s18  }
0x8e: {  	[smem:$0x3FC6] =	sst s2  }
0x8f: {  	_ = 	snop  }
0x90: {  	s2 =	sld [smem:$0x3FC9]  }
0x91: {  	s19 =	sld [smem:$0x3FC8]  }
0x92: {  	s4 =	sld [smem:$0x3FD0];
	(tm) =	ssettm $0x1  }
0x93: {  	s5 =	sld [smem:$0x3FFB];
	_ =	sdelay $0x3  }
0x94: {  	_ =	strace s5  }
0x95: {  	s5 =	sld [smem:$0x3FFC];
	_ =	sdelay $0x3  }
0x96: {  	_ =	strace s5  }
0x97: {  	s5 =	sld [smem:$0x3FFD];
	_ =	sdelay $0x3  }
0x98: {  	_ =	strace s5  }
0x99: {  	_ =	strace $0x8FFFFFFF  }
0x9a: {  	s20 =	sld [smem:$0x3FDB];
	_ =	sdelay $0x1  }
0x9b: {  	s6 =	simm.s32 $_scs_section_size  }
0x9c: {  	s7 =	simm.s32 $_size__tile_overlayer_lowered;
	s8 =	simm.s32 $_tile_overlayer_lowered  }
0x9d: {  	s23 =	simm.s32 $0x1BFF;
	s22 =	sshll.u32 s8, $0x1;
	s5 =	sadd.s32 s6, s20  }
0x9e: {  	s9 =	simm.s32 $0x0;
	s21 =	sshll.u32 s7, $0x1;
	s7 =	sadd.s32 s22, s5  }
0x9f: {  	[timem:s9], [sflag:s23] =	dma.local [hbm:s7], s21  }
0xa0: {  	_ =	swait.ge [sflag:s23], s21  }
0xa1: {  	s6 =	ssub.s32 $0x0, s21;
	[sflag:s23] =	ssyncset.done $0x0  }
0xa2: {  	[sflag:s23] =	ssyncadd.s32 s6;
	_ =	sdelay $0x1  }
0xa3: {  	s24 =	simm.s32 $0x1B8B  }
0xa4: {  	_ =	swait.ge [sflag:s24], $0x1  }
0xa5: {  	[sflag:s24] =	ssyncset.done $0x0  }
0xa6: {  	s25 =	simm.s32 $0x1B8E;
	[sflag:s24] =	ssyncadd.s32 $0xFFFFFFFF  }
0xa7: {  	s26 =	simm.s32 $execute0_lowered;
	[smem:$0x3FD2] =	sst s25  }
0xa8: {  	s6 =	sshll.u32 s26, $0x1;
	_ =	strace $0x80000046;
	[dreg:$0x1] =	wrdreg $0xFFFFFFFF  }
0xa9: {  	s28 =	simm.s32 $_size_execute0_lowered;
	s5 =	sadd.s32 s5, s6;
	[dreg:$0x0] =	wrdreg $0x0  }
0xaa: {  	s6 =	sshll.u32 s28, $0x1;
	[dreg:$0x2] =	wrdreg s5  }
0xab: {  	[dreg:$0x3] =	wrdreg s6  }
0xac: {  	[dreg:$0x4] =	wrdreg $0xC0  }
0xad: {  	_ =	task [dreg:s9], $0x5FFFF  }
0xae: {  	[dreg:$0x1] =	wrdreg $0xFFFFFFFF  }
0xaf: {  	[dreg:$0x0] =	wrdreg $0x60  }
0xb0: {  	[dreg:$0x2] =	wrdreg s2  }
0xb1: {  	[dreg:$0x3] =	wrdreg s19  }
0xb2: {  	[dreg:$0x4] =	wrdreg s4  }
0xb3: {  	[dreg:$0x5] =	wrdreg $0x9  }
0xb4: {  	_ =	task.clear_ibuf [dreg:s9], $0x6FFFF;
	_ =	strace $0x90000046  }
0xb5: {  	s29 =	simm.s32 $0x9;
	_ =	strace $0x80000048  }
0xb6: {  	_ =	swait.ge [sflag:s29], $0x1  }
0xb7: {  	[sflag:s29] =	ssyncadd.s32 $0xFFFFFFFF  }
0xb8: {  	_ =	strace $0x90000048  }
0xb9: {  	_ =	sfence  }
0xba: {  	s30 =	sld [smem:$0x0];
	_ =	sdelay $0x2  }
0xbb: {  	s31 =	sshll.u32 s1, $0xD;
	s1 =	sshrl.u32 s1, $0x2  }
0xbc: {  	s3 =	sand.u32 $0x4000, s31;
	s1 =	sadd.s32 s1, s30  }
0xbd: {  	s0 =	sor.u32 s3, s0;
	s1 =	sshll.u32 s1, $0x11  }
0xbe: {  	s0 =	sor.u32 s1, s0  }
0xbf: {  	s0 =	sadd.s32 $0x8F2B, s0  }
0xc0: {  	[sflag:s0] =	ssyncadd.remote.s32 $0x1  }
0xc1: {  	_ =	sfence.sel $0xFFFF  }
0xc2: {  	[dreg:$0x0] =	wrdreg $0xFFFFFFFF;
	(pc) =	sbr.abs _section_cstart, $3  }
0xc3: {  	[dreg:$0x1] =	wrdreg $0xFFFFFFFF  }
0xc4: {  	_ =	task.clear_ibuf [dreg:s9], $0x2FFFF;
	_ =	strace $0x9FFFFFFF  }
0xc5: {  	(tm) =	ssettm $0x7FFFFFFF  }
tec
execute0_lowered:
.L_overlay_start_1:
0x0: {  	(tag) =	ssettag $0x1  }
0x1: {  	s1 =	rddreg [dreg:$0x0];
	s0 =	srdreg.scid  }
0x2: {  	s2 =	stileid.u32;
	s4 =	rddreg [dreg:$0x2];
	s5 =	simm.s32 $0x0  }
0x3: {  	s12 =	simm.s32 $0x100;
	s13 =	simm.s32 $0x2100;
	s14 =	simm.s32 $0x4100  }
0x4: {  	s15 =	simm.s32 $0x6100;
	s16 =	simm.s32 $0x9;
	s17 =	simm.s32 $0x1  }
0x5: {  	s18 =	simm.s32 $0x80;
	s19 =	simm.s32 $0x8100;
	s20 =	simm.s32 $0x2  }
0x6: {  	s21 =	simm.s32 $0x6;
	s22 =	simm.s32 $0xA100;
	s23 =	simm.s32 $0x3  }
0x7: {  	s28 =	simm.s32 $0x8;
	s29 =	simm.s32 $0xE100;
	s0 =	sand.u32 $0x1, s0  }
0x8: {  	s2 =	sshll.u32 s2, $0x13;
	s3 =	sshll.u32 s0, $0x12;
	s0 =	ssub.s32 $0x2, s0  }
0x9: {  	s30 =	simm.s32 $0x5;
	s6 =	sor.u32 s3, s2;
	s24 =	sshrl.u32 s0, $0x1  }
0xa: {  	[smem:$0x7FF] =	sst s5;
	s2 =	sshrl.u32 s6, $0x3;
	s0 =	ssub.s32 s0, s24  }
.Ltmp0:
0xb: {  	s7 =	sadd.s32 s1, s2;
	s0 =	smax.u32 s0, $0x1;
	(pc) =	sbr.rel .LBB2_1-.Ltmp0, $4  }
0xc: {  	_ =	strace $0x80000047;
	s2 =	sadd.s32 $0x400, s7;
	[dreg:$0x7] =	wrdreg s0  }
0xd: {  	s31 =	simm.s32 $0x0;
	s25 =	sadd.s32 $0x800, s7;
	[dreg:$0x4] =	wrdreg s2  }
0xe: {  	s24 =	simm.s32 $0x7;
	s26 =	sadd.s32 $0xC00, s7;
	[dreg:$0x5] =	wrdreg s25  }
0xf: {  	[dreg:$0x6] =	wrdreg s26;
	s25 =	simm.s32 $0xC100;
	s26 =	simm.s32 $0x4  }
.LBB2_24:
0x10: {  	_ =	swait.ge [sflag:s30], $0x2000  }
0x11: {  	[sflag:s30] =	ssyncset.done $0x0  }
0x12: {  	[sflag:s30] =	ssyncadd.s32 $0xFFFFE000  }
0x13: {  	_ =	swait.ge [sflag:s21], $0x2000  }
0x14: {  	[sflag:s21] =	ssyncset.done $0x0  }
0x15: {  	[sflag:s21] =	ssyncadd.s32 $0xFFFFE000  }
0x16: {  	_ =	swait.ge [sflag:s24], $0x2000  }
0x17: {  	[sflag:s24] =	ssyncset.done $0x0  }
0x18: {  	[sflag:s24] =	ssyncadd.s32 $0xFFFFE000  }
0x19: {  	_ =	swait.ge [sflag:s28], $0x2000  }
0x1a: {  	s31 =	sadd.s32 $0x1, s31;
	s0 =	rddreg [dreg:$0x7]  }
0x1b: {  	p0 =	sne.s32 s31, s0  }
.Ltmp1:
0x1c: {  	_ = 	snop;
	(pc) =	sbr.rel @!p0 .LBB2_25-.Ltmp1, $3  }
0x1d: {  	_ =	sdelay $0x1  }
0x1e: {  	[sflag:s28] =	ssyncset.done $0x0  }
0x1f: {  	[sflag:s28] =	ssyncadd.s32 $0xFFFFE000  }
.LBB2_1:
0x20: {  	[tilespmem:s12], [sflag:$0x1] =	stream.linear.gather [hbm4b:s7+s5], $0x2000, $0x38;
	[tilespmem:$0x10100] =	vst v63  }
0x21: {  	s0 =	rddreg [dreg:$0x4]  }
0x22: {  	[tilespmem:s13], [sflag:$0x2] =	stream.linear.gather [hbm4b:s0+s5], $0x2000, $0x38;
	[tilespmem:$0x10100] =	vst v63  }
0x23: {  	s2 =	rddreg [dreg:$0x5]  }
0x24: {  	[tilespmem:s14], [sflag:$0x3] =	stream.linear.gather [hbm4b:s2+s5], $0x2000, $0x38;
	[tilespmem:$0x10100] =	vst v63  }
0x25: {  	s3 =	rddreg [dreg:$0x6]  }
0x26: {  	[tilespmem:s15], [sflag:$0x4] =	stream.linear.gather [hbm4b:s3+s5], $0x2000, $0x38;
	[tilespmem:$0x10100] =	vst v63  }
0x27: {  	s8 =	rddreg [dreg:$0x1]  }
0x28: {  	[tilespmem:s5], [sflag:$0x9] =	stream.linear.gather [hbm4b:s8+s5], $0x80, $0x38;
	[tilespmem:$0x10100] =	vst v63  }
0x29: {  	_ =	swait.ge [sflag:s16], $0x80  }
0x2a: {  	[sflag:s16] =	ssyncset.done $0x0  }
0x2b: {  	[sflag:s16] =	ssyncadd.s32 $0xFFFFFF80  }
0x2c: {  	v0 =	vld [tilespmem:$0x0];
	_ =	sdelay $0x4  }
0x2d: {  	v1 =	vand.u32 $0x7FFFFFFF, v0  }
0x2e: {  	v1 =	vsub.f32 $0.0e+00, v1;
	_ =	sdelay $0x1  }
0x2f: {  	v1 =	vmul.f32 $1.442695020e+00, v1;
	_ =	sdelay $0x1  }
0x30: {  	(erf) = vpow2.f32 v1;
	_ =	sdelay $0x2  }
0x31: {  	v54 =	vld [tilespmem:$0x10];
	_ =	sdelay $0x4  }
0x32: {  	v2 =	vand.u32 $0x7FFFFFFF, v54  }
0x33: {  	v2 =	vsub.f32 $0.0e+00, v2;
	v3 =	vpop (erf)  }
0x34: {  	v4 =	vadd.f32 $2.000000000e+00, v3  }
0x35: {  	v2 =	vmul.f32 $1.442695020e+00, v2  }
0x36: {  	(erf) = vrcp.f32 v4  }
0x37: {  	(erf) = vpow2.f32 v2;
	_ =	sdelay $0x2  }
0x38: {  	v55 =	vld [tilespmem:$0x20];
	_ =	sdelay $0x4  }
0x39: {  	v5 =	vand.u32 $0x7FFFFFFF, v55;
	v4 =	vpop (erf)  }
0x3a: {  	v5 =	vsub.f32 $0.0e+00, v5;
	v6 =	vpop (erf)  }
0x3b: {  	v7 =	vadd.f32 $2.000000000e+00, v6  }
0x3c: {  	v5 =	vmul.f32 $1.442695020e+00, v5  }
0x3d: {  	(erf) = vrcp.f32 v7  }
0x3e: {  	(erf) = vpow2.f32 v5;
	_ =	sdelay $0x2  }
0x3f: {  	v56 =	vld [tilespmem:$0x30];
	_ =	sdelay $0x4  }
0x40: {  	v8 =	vand.u32 $0x7FFFFFFF, v56;
	v7 =	vpop (erf)  }
0x41: {  	v8 =	vsub.f32 $0.0e+00, v8;
	v9 =	vpop (erf)  }
0x42: {  	v10 =	vadd.f32 $2.000000000e+00, v9  }
0x43: {  	v8 =	vmul.f32 $1.442695020e+00, v8  }
0x44: {  	(erf) = vrcp.f32 v10  }
0x45: {  	(erf) = vpow2.f32 v8;
	_ =	sdelay $0x7  }
0x46: {  	v57 =	vpop (erf)  }
0x47: {  	v58 =	vpop (erf)  }
0x48: {  	v11 =	vadd.f32 $2.000000000e+00, v58;
	_ =	sdelay $0x1  }
0x49: {  	(erf) = vrcp.f32 v11;
	_ =	sdelay $0x2  }
0x4a: {  	v3 =	vmul.f32 v4, v3;
	_ =	sdelay $0x1  }
0x4b: {  	v4 =	vmul.f32 v3, v3;
	v6 =	vmul.f32 v7, v6;
	_ =	sdelay $0x1  }
0x4c: {  	v59 =	vmul.f32 $1.111111120e-01, v4;
	v60 =	vmul.f32 v6, v6  }
0x4d: {  	v8 =	vmul.f32 v57, v9  }
0x4e: {  	v7 =	vadd.f32 $1.428571490e-01, v59;
	v61 =	vmul.f32 $1.111111120e-01, v60;
	v12 =	vpop (erf)  }
0x4f: {  	v13 =	vmul.f32 v8, v8;
	v10 =	vmul.f32 v12, v58  }
0x50: {  	v7 =	vmul.f32 v7, v4  }
0x51: {  	v9 =	vadd.f32 $1.428571490e-01, v61;
	v62 =	vmul.f32 $1.111111120e-01, v13;
	v14 =	vmul.f32 v10, v10  }
0x52: {  	v7 =	vadd.f32 $2.000000030e-01, v7  }
0x53: {  	v9 =	vmul.f32 v9, v60;
	v12 =	vadd.f32 $1.428571490e-01, v62;
	v15 =	vmul.f32 $1.111111120e-01, v14  }
0x54: {  	v7 =	vmul.f32 v7, v4  }
0x55: {  	v9 =	vadd.f32 $2.000000030e-01, v9;
	v12 =	vmul.f32 v12, v13;
	v15 =	vadd.f32 $1.428571490e-01, v15  }
0x56: {  	v7 =	vadd.f32 $3.333333430e-01, v7  }
0x57: {  	v9 =	vmul.f32 v9, v60;
	v12 =	vadd.f32 $2.000000030e-01, v12;
	v15 =	vmul.f32 v15, v14  }
0x58: {  	v4 =	vmul.f32 v7, v4  }
0x59: {  	v63 =	vadd.f32 $3.333333430e-01, v9;
	v16 =	vmul.f32 v12, v13;
	v17 =	vadd.f32 $2.000000030e-01, v15  }
0x5a: {  	v3 =	vadd.f32 v3, v3;
	v4 =	vadd.f32 $1.000000000e+00, v4  }
0x5b: {  	v7 =	vmul.f32 v63, v60;
	v9 =	vadd.f32 $3.333333430e-01, v16;
	v18 =	vmul.f32 v17, v14  }
0x5c: {  	v0 =	vmax.f32 v0, $0.0e+00;
	v19 =	vadd.f32 v6, v6;
	v3 =	vmul.f32 v4, v3  }
0x5d: {  	v20 =	vadd.f32 $1.000000000e+00, v7;
	v21 =	vmul.f32 v9, v13;
	v22 =	vadd.f32 $3.333333430e-01, v18  }
0x5e: {  	v24 =	vadd.f32 v8, v8;
	v0 =	vadd.f32 v3, v0  }
0x5f: {  	v23 =	vmul.f32 v20, v19;
	v25 =	vadd.f32 $1.000000000e+00, v21;
	v26 =	vmul.f32 v22, v14  }
0x60: {  	v1 =	vmax.f32 v54, $0.0e+00;
	v0 =	vadd.f32 $9.999999970e-07, v0;
	v28 =	vadd.f32 v10, v10  }
0x61: {  	v1 =	vadd.f32 v23, v1;
	v27 =	vmul.f32 v25, v24;
	v29 =	vadd.f32 $1.000000000e+00, v26  }
0x62: {  	v2 =	vmax.f32 v55, $0.0e+00  }
0x63: {  	(xrf2) =	vadd.scan.msk.f32 $0xffff, v0;
	v1 =	vadd.f32 $9.999999970e-07, v1;
	v2 =	vadd.f32 v27, v2;
	v30 =	vmul.f32 v29, v28  }
0x64: {  	v31 =	vmax.f32 v56, $0.0e+00  }
0x65: {  	(xrf2) =	vadd.scan.msk.f32 $0xffff, v1;
	v2 =	vadd.f32 $9.999999970e-07, v2;
	v3 =	vadd.f32 v30, v31;
	_ =	sdelay $0x1  }
0x66: {  	(xrf2) =	vadd.scan.msk.f32 $0xffff, v2;
	v3 =	vadd.f32 $9.999999970e-07, v3;
	_ =	sdelay $0x1  }
0x67: {  	(xrf2) =	vadd.scan.msk.f32 $0xffff, v3;
	_ =	sdelay $0x3  }
0x68: {  	v32, _, _ =	vpop (xrf2)  }
0x69: {  	(v2sf) =	vpush v32, $0xF  }
0x6a: {  	v33, _, _ =	vpop (xrf2)  }
0x6b: {  	(v2sf) =	vpush v33, $0xF  }
0x6c: {  	v34, _, _ =	vpop (xrf2)  }
0x6d: {  	(v2sf) =	vpush v34, $0xF  }
0x6e: {  	v35, _, _ =	vpop (xrf2)  }
0x6f: {  	(v2sf) =	vpush v35, $0xF;
	_ =	sdelay $0x8  }
0x70: {  	s9 =	spop (v2sf)  }
0x71: {  	s0 =	sadd.f32 $0.0e+00, s9  }
0x72: {  	s2 =	spop (v2sf)  }
0x73: {  	s0 =	sadd.f32 s2, s0  }
0x74: {  	s10 =	spop (v2sf)  }
0x75: {  	s0 =	sadd.f32 s10, s0  }
0x76: {  	s11 =	spop (v2sf)  }
0x77: {  	s0 =	sadd.f32 s11, s0;
	_ =	sdelay $0x1  }
0x78: {  	v36 =	vmov s0  }
0x79: {  	(erf) = vrcp.f32 v36;
	_ =	sdelay $0x8  }
0x7a: {  	v4 =	vpop (erf)  }
0x7b: {  	v4 =	vmul.f32 $6.400000000e+01, v4;
	_ =	sdelay $0x1  }
0x7c: {  	v0 =	vmul.f32 v4, v0  }
0x7d: {  	v1 =	vmul.f32 v4, v1  }
0x7e: {  	v0 =	vadd.f32 $1.000000010e-10, v0  }
0x7f: {  	v1 =	vadd.f32 $1.000000010e-10, v1  }
0x80: {  	v37 =	vand.u32 $0x7FFFFF, v0  }
0x81: {  	v38 =	vand.u32 $0x7FFFFF, v1;
	v5 =	vor.u32 $0x3F800000, v37  }
0x82: {  	v6 =	vor.u32 $0x3F800000, v38;
	v5 =	vadd.f32 $-1.000000000e+00, v5  }
0x83: {  	v6 =	vadd.f32 $-1.000000000e+00, v6  }
0x84: {  	v39 =	vadd.f32 $2.000000000e+00, v5  }
0x85: {  	v2 =	vmul.f32 v4, v2;
	v40 =	vadd.f32 $2.000000000e+00, v6  }
0x86: {  	v3 =	vmul.f32 v4, v3;
	(erf) = vrcp.f32 v39  }
0x87: {  	v2 =	vadd.f32 $1.000000010e-10, v2;
	(erf) = vrcp.f32 v40  }
0x88: {  	v3 =	vadd.f32 $1.000000010e-10, v3  }
0x89: {  	v41 =	vand.u32 $0x7FFFFF, v2  }
0x8a: {  	v42 =	vand.u32 $0x7FFFFF, v3;
	v4 =	vor.u32 $0x3F800000, v41  }
0x8b: {  	v7 =	vor.u32 $0x3F800000, v42;
	v4 =	vadd.f32 $-1.000000000e+00, v4  }
0x8c: {  	v7 =	vadd.f32 $-1.000000000e+00, v7  }
0x8d: {  	v43 =	vadd.f32 $2.000000000e+00, v4  }
0x8e: {  	v44 =	vadd.f32 $2.000000000e+00, v7  }
0x8f: {  	v45 =	vpop (erf);
	(erf) = vrcp.f32 v43  }
0x90: {  	v46 =	vpop (erf);
	(erf) = vrcp.f32 v44;
	_ =	sdelay $0x1  }
0x91: {  	v5 =	vmul.f32 v45, v5  }
0x92: {  	v6 =	vmul.f32 v46, v6  }
0x93: {  	v47 =	vmul.f32 v5, v5  }
0x94: {  	v48 =	vmul.f32 v6, v6  }
0x95: {  	v49 =	vmul.f32 $1.111111120e-01, v47  }
0x96: {  	v50 =	vmul.f32 $1.111111120e-01, v48  }
0x97: {  	v10 =	vadd.f32 $1.428571490e-01, v49;
	v51 =	vpop (erf)  }
0x98: {  	v11 =	vadd.f32 $1.428571490e-01, v50;
	v4 =	vmul.f32 v51, v4;
	v52 =	vpop (erf)  }
0x99: {  	v10 =	vmul.f32 v10, v47;
	v7 =	vmul.f32 v52, v7  }
0x9a: {  	v11 =	vmul.f32 v11, v48;
	v53 =	vmul.f32 v4, v4  }
0x9b: {  	v10 =	vadd.f32 $2.000000030e-01, v10;
	v54 =	vmul.f32 v7, v7  }
0x9c: {  	v11 =	vadd.f32 $2.000000030e-01, v11;
	v55 =	vmul.f32 $1.111111120e-01, v53  }
0x9d: {  	v10 =	vmul.f32 v10, v47;
	v56 =	vmul.f32 $1.111111120e-01, v54  }
0x9e: {  	v0 =	vshra.s32 v0, $0x17;
	v11 =	vmul.f32 v11, v48;
	v14 =	vadd.f32 $1.428571490e-01, v55  }
0x9f: {  	v1 =	vshra.s32 v1, $0x17;
	v10 =	vadd.f32 $3.333333430e-01, v10;
	v57 =	vadd.f32 $1.428571490e-01, v56  }
0xa0: {  	v2 =	vshra.s32 v2, $0x17;
	v11 =	vadd.f32 $3.333333430e-01, v11;
	v58 =	vmul.f32 v14, v53  }
0xa1: {  	v3 =	vshra.s32 v3, $0x17;
	v8 =	vmul.f32 v10, v47;
	v10 =	vmul.f32 v57, v54  }
0xa2: {  	v0 =	vadd.s32 $0xFFFFFF81, v0;
	v9 =	vmul.f32 v11, v48;
	v11 =	vadd.f32 $2.000000030e-01, v58  }
0xa3: {  	v1 =	vadd.s32 $0xFFFFFF81, v1;
	v2 =	vadd.s32 $0xFFFFFF81, v2;
	v10 =	vadd.f32 $2.000000030e-01, v10  }
0xa4: {  	v5 =	vadd.f32 v5, v5;
	v8 =	vadd.f32 $1.000000000e+00, v8;
	v59 =	vmul.f32 v11, v53  }
0xa5: {  	v6 =	vadd.f32 v6, v6;
	v9 =	vadd.f32 $1.000000000e+00, v9;
	v60 =	vmul.f32 v10, v54  }
0xa6: {  	v0 =	vcvt.s32.f32 v0;
	v5 =	vmul.f32 v8, v5;
	v8 =	vadd.f32 $3.333333430e-01, v59  }
0xa7: {  	v1 =	vcvt.s32.f32 v1;
	v6 =	vmul.f32 v9, v6;
	v9 =	vadd.f32 $3.333333430e-01, v60  }
0xa8: {  	v3 =	vadd.s32 $0xFFFFFF81, v3;
	v2 =	vcvt.s32.f32 v2;
	v8 =	vmul.f32 v8, v53  }
0xa9: {  	v3 =	vcvt.s32.f32 v3;
	v9 =	vmul.f32 v9, v54  }
0xaa: {  	v0 =	vmul.f32 $6.931471820e-01, v0;
	v4 =	vadd.f32 v4, v4;
	v8 =	vadd.f32 $1.000000000e+00, v8  }
0xab: {  	v1 =	vmul.f32 $6.931471820e-01, v1;
	v7 =	vadd.f32 v7, v7;
	v9 =	vadd.f32 $1.000000000e+00, v9  }
0xac: {  	v2 =	vmul.f32 $6.931471820e-01, v2;
	v0 =	vadd.f32 v5, v0;
	v4 =	vmul.f32 v8, v4  }
0xad: {  	v3 =	vmul.f32 $6.931471820e-01, v3;
	v1 =	vadd.f32 v6, v1;
	v61 =	vmul.f32 v9, v7  }
0xae: {  	[tilespmem:$0x80] =	vst v0;
	v62 =	vadd.f32 v4, v2  }
0xaf: {  	[tilespmem:$0x90] =	vst v1;
	v63 =	vadd.f32 v61, v3  }
0xb0: {  	[tilespmem:$0xA0] =	vst v62  }
0xb1: {  	s2 =	simm.s32 $0x0;
	[tilespmem:$0xB0] =	vst v63  }
.LBB2_2:
0xb2: {  	_ =	swait.ge [sflag:s17], $0x2000  }
0xb3: {  	p0 =	seq.s32 s2, $0x0;
	[sflag:s17] =	ssyncset.done $0x0  }
0xb4: {  	s0 =	simm.s32 @!p0 $0x5;
	[sflag:s17] =	ssyncadd.s32 $0xFFFFE000  }
0xb5: {  	_ =	swait.ge @!p0 [sflag:s0], $0x2000  }
0xb6: {  	[sflag:s0] =	ssyncset.done @!p0 $0x0  }
0xb7: {  	s10 =	simm.s32 $0x180;
	[sflag:s0] =	ssyncadd.s32 @!p0 $0xFFFFE000  }
0xb8: {  	v0 =	vld [tilespmem:s10+$0x70]  }
0xb9: {  	v1 =	vld [tilespmem:s10+$0xFFFFFF90]  }
0xba: {  	v2 =	vld [tilespmem:s10+$0xFFFFFFA0]  }
0xbb: {  	v3 =	vld [tilespmem:s10+$0xFFFFFFB0]  }
0xbc: {  	v4 =	vld [tilespmem:s10+$0xFFFFFFC0]  }
0xbd: {  	v5 =	vld [tilespmem:s10+$0xFFFFFFD0]  }
0xbe: {  	v6 =	vld [tilespmem:s10+$0xFFFFFFE0]  }
0xbf: {  	v7 =	vld [tilespmem:s10+$0xFFFFFFF0]  }
0xc0: {  	v8 =	vld [tilespmem:s10+$0x0]  }
0xc1: {  	v9 =	vld [tilespmem:s10+$0x10]  }
0xc2: {  	v10 =	vld [tilespmem:s10+$0x20]  }
0xc3: {  	v11 =	vld [tilespmem:s10+$0x30]  }
0xc4: {  	v12 =	vld [tilespmem:s10+$0x40]  }
0xc5: {  	v13 =	vld [tilespmem:s10+$0x50]  }
0xc6: {  	v14 =	vld [tilespmem:s10+$0x60]  }
0xc7: {  	s11 =	simm.s32 $0x280;
	v15 =	vld [tilespmem:s10+$0xFFFFFF80]  }
0xc8: {  	v16 =	vld [tilespmem:s11+$0x70]  }
0xc9: {  	v17 =	vld [tilespmem:s11+$0xFFFFFF90]  }
0xca: {  	v18 =	vld [tilespmem:s11+$0xFFFFFFA0]  }
0xcb: {  	v19 =	vld [tilespmem:s11+$0xFFFFFFB0];
	v0 =	vmul.f32 $6.400000000e+01, v0  }
0xcc: {  	v20 =	vld [tilespmem:s11+$0xFFFFFFC0];
	v1 =	vmul.f32 $6.400000000e+01, v1;
	v2 =	vmul.f32 $6.400000000e+01, v2  }
0xcd: {  	v21 =	vld [tilespmem:s11+$0xFFFFFFD0];
	v3 =	vmul.f32 $6.400000000e+01, v3;
	v4 =	vmul.f32 $6.400000000e+01, v4  }
0xce: {  	v22 =	vld [tilespmem:s11+$0xFFFFFFE0];
	v5 =	vmul.f32 $6.400000000e+01, v5;
	v6 =	vmul.f32 $6.400000000e+01, v6  }
0xcf: {  	v23 =	vld [tilespmem:s11+$0xFFFFFFF0];
	v7 =	vmul.f32 $6.400000000e+01, v7;
	v8 =	vmul.f32 $6.400000000e+01, v8  }
0xd0: {  	v24 =	vld [tilespmem:s11+$0x0];
	v9 =	vmul.f32 $6.400000000e+01, v9;
	v10 =	vmul.f32 $6.400000000e+01, v10  }
0xd1: {  	v25 =	vld [tilespmem:s11+$0x10];
	v11 =	vmul.f32 $6.400000000e+01, v11;
	v12 =	vmul.f32 $6.400000000e+01, v12  }
0xd2: {  	v26 =	vld [tilespmem:s11+$0x20];
	v13 =	vmul.f32 $6.400000000e+01, v13;
	v14 =	vmul.f32 $6.400000000e+01, v14  }
0xd3: {  	v27 =	vld [tilespmem:s11+$0x30];
	v15 =	vmul.f32 $6.400000000e+01, v15;
	v16 =	vmul.f32 $6.400000000e+01, v16  }
0xd4: {  	v28 =	vld [tilespmem:s11+$0x40];
	v17 =	vmul.f32 $6.400000000e+01, v17;
	v18 =	vmul.f32 $6.400000000e+01, v18  }
0xd5: {  	v29 =	vld [tilespmem:s11+$0x50];
	v19 =	vmul.f32 $6.400000000e+01, v19;
	v20 =	vmul.f32 $6.400000000e+01, v20  }
0xd6: {  	v21 =	vmul.f32 $6.400000000e+01, v21;
	v22 =	vmul.f32 $6.400000000e+01, v22  }
0xd7: {  	v23 =	vmul.f32 $6.400000000e+01, v23;
	v24 =	vmul.f32 $6.400000000e+01, v24  }
0xd8: {  	v25 =	vmul.f32 $6.400000000e+01, v25;
	v26 =	vmul.f32 $6.400000000e+01, v26  }
0xd9: {  	v27 =	vmul.f32 $6.400000000e+01, v27;
	v28 =	vmul.f32 $6.400000000e+01, v28  }
0xda: {  	v29 =	vmul.f32 $6.400000000e+01, v29;
	v0 =	vtrunc.f32 v0  }
0xdb: {  	v1 =	vtrunc.f32 v1;
	v2 =	vtrunc.f32 v2  }
0xdc: {  	v3 =	vtrunc.f32 v3;
	v4 =	vtrunc.f32 v4  }
0xdd: {  	v5 =	vtrunc.f32 v5;
	v6 =	vtrunc.f32 v6  }
0xde: {  	v7 =	vtrunc.f32 v7;
	v8 =	vtrunc.f32 v8  }
0xdf: {  	v9 =	vtrunc.f32 v9;
	v10 =	vtrunc.f32 v10  }
0xe0: {  	v11 =	vtrunc.f32 v11;
	v12 =	vtrunc.f32 v12  }
0xe1: {  	v13 =	vtrunc.f32 v13;
	v14 =	vtrunc.f32 v14  }
0xe2: {  	v15 =	vtrunc.f32 v15;
	v16 =	vtrunc.f32 v16  }
0xe3: {  	v17 =	vtrunc.f32 v17;
	v18 =	vtrunc.f32 v18  }
0xe4: {  	v19 =	vtrunc.f32 v19;
	v20 =	vtrunc.f32 v20  }
0xe5: {  	v21 =	vtrunc.f32 v21;
	v22 =	vtrunc.f32 v22  }
0xe6: {  	v23 =	vtrunc.f32 v23;
	v24 =	vtrunc.f32 v24  }
0xe7: {  	v25 =	vtrunc.f32 v25;
	v26 =	vtrunc.f32 v26  }
0xe8: {  	v27 =	vtrunc.f32 v27;
	v28 =	vtrunc.f32 v28  }
0xe9: {  	v29 =	vtrunc.f32 v29;
	v0 =	vcvt.f32.s32 v0  }
0xea: {  	v1 =	vcvt.f32.s32 v1;
	v15 =	vcvt.f32.s32 v15  }
0xeb: {  	v2 =	vcvt.f32.s32 v2;
	v3 =	vcvt.f32.s32 v3  }
0xec: {  	v4 =	vcvt.f32.s32 v4;
	v5 =	vcvt.f32.s32 v5  }
0xed: {  	v6 =	vcvt.f32.s32 v6;
	v7 =	vcvt.f32.s32 v7  }
0xee: {  	v8 =	vcvt.f32.s32 v8;
	v9 =	vcvt.f32.s32 v9  }
0xef: {  	v10 =	vcvt.f32.s32 v10;
	v11 =	vcvt.f32.s32 v11  }
0xf0: {  	v12 =	vcvt.f32.s32 v12;
	v13 =	vcvt.f32.s32 v13  }
0xf1: {  	v14 =	vcvt.f32.s32 v14;
	v16 =	vcvt.f32.s32 v16;
	vm0 =	vgt.s32 v0, $0x0  }
0xf2: {  	vm1 =	vgt.s32 v15, $0x0;
	vm2 =	vgt.s32 v2, $0x0;
	vm3 =	vgt.s32 v3, $0x0  }
0xf3: {  	vm4 =	vgt.s32 v4, $0x0;
	vm5 =	vgt.s32 v5, $0x0;
	vm6 =	vgt.s32 v6, $0x0  }
0xf4: {  	vm7 =	vgt.s32 v7, $0x0;
	vm8 =	vgt.s32 v8, $0x0;
	vm9 =	vgt.s32 v9, $0x0  }
0xf5: {  	vm10 =	vgt.s32 v10, $0x0;
	vm11 =	vgt.s32 v11, $0x0;
	vm13 =	vgt.s32 v13, $0x0  }
0xf6: {  	vm14 =	vgt.s32 v14, $0x0;
	v0 =	vnsel vm0, $0x0, v0;
	vm0 =	vgt.s32 v1, $0x0  }
0xf7: {  	v15 =	vnsel vm1, $0x0, v15;
	v2 =	vnsel vm2, $0x0, v2;
	v0 =	vmin.u32 v0, $0x3F  }
0xf8: {  	v3 =	vnsel vm3, $0x0, v3;
	v4 =	vnsel vm4, $0x0, v4;
	v15 =	vmin.u32 v15, $0x3F  }
0xf9: {  	v5 =	vnsel vm5, $0x0, v5;
	v6 =	vnsel vm6, $0x0, v6;
	v2 =	vmin.u32 v2, $0x3F  }
0xfa: {  	v30 =	vld [tilespmem:s11+$0x60];
	v7 =	vnsel vm7, $0x0, v7;
	v8 =	vnsel vm8, $0x0, v8;
	v3 =	vmin.u32 v3, $0x3F  }
0xfb: {  	v31 =	vld [tilespmem:s11+$0xFFFFFF80];
	v9 =	vnsel vm9, $0x0, v9;
	v10 =	vnsel vm10, $0x0, v10;
	v4 =	vmin.u32 v4, $0x3F  }
0xfc: {  	v1 =	vnsel vm0, $0x0, v1;
	vm0 =	vgt.s32 v16, $0x0;
	v7 =	vmin.u32 v7, $0x3F;
	v0 =	vld.idx.msk [tilespmem:v0+s18+$0x0], $0xffff  }
0xfd: {  	v11 =	vnsel vm11, $0x0, v11;
	v1 =	vmin.u32 v1, $0x3F;
	v16 =	vnsel vm0, $0x0, v16;
	v15 =	vld.idx.msk [tilespmem:v15+s18+$0x0], $0xffff  }
0xfe: {  	v13 =	vnsel vm13, $0x0, v13;
	v14 =	vnsel vm14, $0x0, v14;
	v16 =	vmin.u32 v16, $0x3F;
	v2 =	vld.idx.msk [tilespmem:v2+s18+$0x0], $0xffff  }
0xff: {  	v5 =	vmin.u32 v5, $0x3F;
	v32 =	vmin.u32 v9, $0x3F;
	v9 =	vmul.f32 $6.400000000e+01, v30;
	v63 =	vld.idx.msk [tilespmem:v3+s18+$0x0], $0xffff  }
0x100: {  	v6 =	vmin.u32 v6, $0x3F;
	v62 =	vmin.u32 v10, $0x3F;
	v10 =	vmul.f32 $6.400000000e+01, v31;
	v4 =	vld.idx.msk [tilespmem:v4+s18+$0x0], $0xffff  }
0x101: {  	s0 =	simm.s32 $0x8180;
	v8 =	vmin.u32 v8, $0x3F;
	v34 =	vtrunc.f32 v9;
	v9 =	vcvt.f32.s32 v19;
	v19 =	vld.idx.msk [tilespmem:v7+s18+$0x0], $0xffff  }
0x102: {  	v33 =	vmin.u32 v11, $0x3F;
	v37 =	vmin.u32 v14, $0x3F;
	v14 =	vcvt.f32.s32 v21;
	v1 =	vld.idx.msk [tilespmem:v1+s18+$0x0], $0xffff;
	[tilespmem:s0+$0x70] =	vst v0  }
0x103: {  	v36 =	vmin.u32 v13, $0x3F;
	v13 =	vcvt.f32.s32 v23;
	v11 =	vcvt.f32.s32 v25;
	v16 =	vld.idx.msk [tilespmem:v16+s18+$0x0], $0xffff;
	[tilespmem:s0+$0xFFFFFF80] =	vst v15  }
0x104: {  	vm12 =	vgt.s32 v12, $0x0;
	v3 =	vtrunc.f32 v10;
	v0 =	vcvt.f32.s32 v17;
	v17 =	vld.idx.msk [tilespmem:v5+s18+$0x0], $0xffff;
	[tilespmem:s0+$0xFFFFFFA0] =	vst v2  }
0x105: {  	v12 =	vnsel vm12, $0x0, v12;
	v5 =	vcvt.f32.s32 v3;
	v3 =	vcvt.f32.s32 v18;
	v18 =	vld.idx.msk [tilespmem:v6+s18+$0x0], $0xffff;
	[tilespmem:s0+$0xFFFFFFB0] =	vst v63  }
0x106: {  	v35 =	vmin.u32 v12, $0x3F;
	v12 =	vcvt.f32.s32 v27;
	v6 =	vcvt.f32.s32 v20;
	v20 =	vld.idx.msk [tilespmem:v8+s18+$0x0], $0xffff;
	[tilespmem:s0+$0xFFFFFFC0] =	vst v4  }
0x107: {  	vm7 =	vgt.s32 v14, $0x0;
	vm10 =	vgt.s32 v13, $0x0;
	v7 =	vcvt.f32.s32 v22;
	v15 =	vld.idx.msk [tilespmem:v32+s18+$0x0], $0xffff;
	[tilespmem:s0+$0xFFFFFFF0] =	vst v19  }
0x108: {  	s3 =	simm.s32 $0x8280;
	vm9 =	vgt.s32 v11, $0x0;
	vm5 =	vgt.s32 v12, $0x0;
	v10 =	vcvt.f32.s32 v24;
	v19 =	vld.idx.msk [tilespmem:v36+s18+$0x0], $0xffff;
	[tilespmem:s0+$0xFFFFFF90] =	vst v1  }
0x109: {  	vm3 =	vgt.s32 v9, $0x0;
	vm11 =	vgt.s32 v7, $0x0;
	v8 =	vcvt.f32.s32 v26;
	[tilespmem:s3+$0x70] =	vst v16;
	v16 =	vld.idx.msk [tilespmem:v62+s18+$0x0], $0xffff  }
0x10a: {  	vm8 =	vgt.s32 v10, $0x0;
	v2 =	vcvt.f32.s32 v28;
	v4 =	vcvt.f32.s32 v29;
	[tilespmem:s0+$0xFFFFFFD0] =	vst v17;
	v17 =	vld.idx.msk [tilespmem:v33+s18+$0x0], $0xffff  }
0x10b: {  	s8 =	sshll.u32 s2, $0xF;
	v1 =	vcvt.f32.s32 v34;
	vm0 =	vgt.s32 v0, $0x0;
	vm1 =	vgt.s32 v5, $0x0;
	[tilespmem:s0+$0xFFFFFFE0] =	vst v18;
	v18 =	vld.idx.msk [tilespmem:v35+s18+$0x0], $0xffff  }
0x10c: {  	s9 =	simm.s32 $0x10;
	s8 =	sor.u32 s6, s8;
	s10 =	simm.s32 $0x380;
	vm2 =	vgt.s32 v3, $0x0;
	vm4 =	vgt.s32 v6, $0x0;
	vm6 =	vgt.s32 v8, $0x0;
	[tilespmem:s0+$0x0] =	vst v20;
	v20 =	vld.idx.msk [tilespmem:v37+s18+$0x0], $0xffff  }
.LBB2_3:
0x10d: {  	v21 =	vld [tilespmem:s10+$0x70];
	s9 =	sadd.s32 $0x10, s9;
	vm13 =	vgt.s32 v2, $0x0;
	vm14 =	vgt.s32 v4, $0x0;
	vm12 =	vgt.s32 v1, $0x0;
	[tilespmem:s0+$0x10] =	vst v15  }
0x10e: {  	v5 =	vnsel vm1, $0x0, v5;
	v0 =	vnsel vm0, $0x0, v0;
	v3 =	vnsel vm2, $0x0, v3;
	v15 =	vld [tilespmem:s10+$0xFFFFFF90];
	p1 =	slt.u32 s9, $0x1F0;
	[tilespmem:s0+$0x20] =	vst v16  }
0x10f: {  	v9 =	vnsel vm3, $0x0, v9;
	v6 =	vnsel vm4, $0x0, v6;
	v14 =	vnsel vm7, $0x0, v14;
	v16 =	vld [tilespmem:s10+$0xFFFFFFA0];
	[tilespmem:s0+$0x30] =	vst v17  }
0x110: {  	v7 =	vnsel vm11, $0x0, v7;
	v13 =	vnsel vm10, $0x0, v13;
	v10 =	vnsel vm8, $0x0, v10;
	v17 =	vld [tilespmem:s10+$0xFFFFFFB0];
	[tilespmem:s0+$0x40] =	vst v18  }
0x111: {  	v11 =	vnsel vm9, $0x0, v11;
	v8 =	vnsel vm6, $0x0, v8;
	v12 =	vnsel vm5, $0x0, v12;
	v18 =	vld [tilespmem:s10+$0xFFFFFFC0];
	[tilespmem:s0+$0x50] =	vst v19  }
0x112: {  	v2 =	vnsel vm13, $0x0, v2;
	v4 =	vnsel vm14, $0x0, v4;
	v19 =	vld [tilespmem:s10+$0xFFFFFFD0];
	v21 =	vmul.f32 $6.400000000e+01, v21;
	[tilespmem:s0+$0x60] =	vst v20;
	s0 =	smov.u32 s3  }
0x113: {  	v5 =	vmin.u32 v5, $0x3F;
	v1 =	vnsel vm12, $0x0, v1;
	v15 =	vmul.f32 $6.400000000e+01, v15;
	v20 =	vld [tilespmem:s10+$0xFFFFFFE0]  }
0x114: {  	v0 =	vmin.u32 v0, $0x3F;
	v16 =	vmul.f32 $6.400000000e+01, v16;
	v22 =	vld [tilespmem:s10+$0xFFFFFFF0];
	v21 =	vtrunc.f32 v21  }
0x115: {  	v3 =	vmin.u32 v3, $0x3F;
	v17 =	vmul.f32 $6.400000000e+01, v17;
	v23 =	vld [tilespmem:s10+$0x0];
	v21 =	vcvt.f32.s32 v21  }
0x116: {  	v9 =	vmin.u32 v9, $0x3F;
	v15 =	vtrunc.f32 v15;
	v18 =	vmul.f32 $6.400000000e+01, v18;
	v24 =	vld [tilespmem:s10+$0x10]  }
0x117: {  	v16 =	vtrunc.f32 v16;
	v19 =	vmul.f32 $6.400000000e+01, v19;
	v25 =	vld [tilespmem:s10+$0x20];
	vm0 =	vgt.s32 v21, $0x0  }
0x118: {  	v17 =	vtrunc.f32 v17;
	v20 =	vmul.f32 $6.400000000e+01, v20;
	v26 =	vld [tilespmem:s10+$0x30];
	v21 =	vnsel vm0, $0x0, v21  }
0x119: {  	v18 =	vtrunc.f32 v18;
	v22 =	vmul.f32 $6.400000000e+01, v22;
	v27 =	vld [tilespmem:s10+$0x40];
	v21 =	vmin.u32 v21, $0x3F  }
0x11a: {  	v6 =	vmin.u32 v6, $0x3F;
	v19 =	vtrunc.f32 v19;
	v23 =	vmul.f32 $6.400000000e+01, v23;
	v28 =	vld [tilespmem:s10+$0x50]  }
0x11b: {  	v14 =	vmin.u32 v14, $0x3F;
	v20 =	vtrunc.f32 v20;
	v24 =	vmul.f32 $6.400000000e+01, v24;
	v29 =	vld [tilespmem:s10+$0x60]  }
0x11c: {  	v7 =	vmin.u32 v7, $0x3F;
	v22 =	vtrunc.f32 v22;
	v30 =	vld [tilespmem:s10+$0xFFFFFF80];
	v25 =	vmul.f32 $6.400000000e+01, v25  }
0x11d: {  	v13 =	vmin.u32 v13, $0x3F;
	v23 =	vtrunc.f32 v23;
	v26 =	vmul.f32 $6.400000000e+01, v26;
	v5 =	vld.idx.msk [tilespmem:v5+s18+$0x0], $0xffff  }
0x11e: {  	v10 =	vmin.u32 v10, $0x3F;
	v24 =	vtrunc.f32 v24;
	v27 =	vmul.f32 $6.400000000e+01, v27;
	v21 =	vld.idx.msk [tilespmem:v21+s18+$0x0], $0xffff  }
0x11f: {  	v11 =	vmin.u32 v11, $0x3F;
	v25 =	vtrunc.f32 v25;
	v28 =	vmul.f32 $6.400000000e+01, v28;
	v31 =	vld.idx.msk [tilespmem:v0+s18+$0x0], $0xffff  }
0x120: {  	v32 =	vmin.u32 v8, $0x3F;
	v26 =	vtrunc.f32 v26;
	v0 =	vmul.f32 $6.400000000e+01, v29;
	v29 =	vld.idx.msk [tilespmem:v3+s18+$0x0], $0xffff  }
0x121: {  	v27 =	vtrunc.f32 v27;
	v3 =	vmul.f32 $6.400000000e+01, v30;
	v8 =	vld.idx.msk [tilespmem:v9+s18+$0x0], $0xffff;
	v30 =	vmin.u32 v12, $0x3F  }
0x122: {  	v34 =	vmin.u32 v2, $0x3F;
	v28 =	vtrunc.f32 v28;
	v33 =	vtrunc.f32 v0;
	v12 =	vld.idx.msk [tilespmem:v6+s18+$0x0], $0xffff  }
0x123: {  	v36 =	vmin.u32 v4, $0x3F;
	s3 =	sadd.s32 $0x100, s3;
	v0 =	vcvt.f32.s32 v15;
	v2 =	vtrunc.f32 v3;
	[tilespmem:s0+$0xFFFFFF80] =	vst v5;
	v35 =	vld.idx.msk [tilespmem:v14+s18+$0x0], $0xffff  }
0x124: {  	v37 =	vmin.u32 v1, $0x3F;
	v3 =	vcvt.f32.s32 v16;
	v5 =	vcvt.f32.s32 v2;
	[tilespmem:s3+$0x70] =	vst v21;
	v21 =	vld.idx.msk [tilespmem:v7+s18+$0x0], $0xffff  }
0x125: {  	v9 =	vcvt.f32.s32 v17;
	v6 =	vcvt.f32.s32 v18;
	vm0 =	vgt.s32 v0, $0x0;
	[tilespmem:s0+$0xFFFFFF90] =	vst v31;
	v31 =	vld.idx.msk [tilespmem:v13+s18+$0x0], $0xffff  }
0x126: {  	v14 =	vcvt.f32.s32 v19;
	v7 =	vcvt.f32.s32 v20;
	vm1 =	vgt.s32 v5, $0x0;
	[tilespmem:s0+$0xFFFFFFA0] =	vst v29;
	v20 =	vld.idx.msk [tilespmem:v10+s18+$0x0], $0xffff  }
0x127: {  	vm2 =	vgt.s32 v3, $0x0;
	v13 =	vcvt.f32.s32 v22;
	v10 =	vcvt.f32.s32 v23;
	[tilespmem:s0+$0xFFFFFFB0] =	vst v8;
	v15 =	vld.idx.msk [tilespmem:v11+s18+$0x0], $0xffff  }
.Ltmp2:
0x128: {  	vm3 =	vgt.s32 v9, $0x0;
	v11 =	vcvt.f32.s32 v24;
	v8 =	vcvt.f32.s32 v25;
	[tilespmem:s0+$0xFFFFFFC0] =	vst v12;
	v16 =	vld.idx.msk [tilespmem:v32+s18+$0x0], $0xffff;
	(pc) =	sbr.rel @p1 .LBB2_3-.Ltmp2, $4  }
0x129: {  	vm4 =	vgt.s32 v6, $0x0;
	v2 =	vcvt.f32.s32 v27;
	v12 =	vcvt.f32.s32 v26;
	[tilespmem:s0+$0xFFFFFFD0] =	vst v35;
	v17 =	vld.idx.msk [tilespmem:v30+s18+$0x0], $0xffff  }
0x12a: {  	v4 =	vcvt.f32.s32 v28;
	v1 =	vcvt.f32.s32 v33;
	vm7 =	vgt.s32 v14, $0x0;
	[tilespmem:s0+$0xFFFFFFE0] =	vst v21;
	v18 =	vld.idx.msk [tilespmem:v34+s18+$0x0], $0xffff  }
0x12b: {  	vm11 =	vgt.s32 v7, $0x0;
	vm10 =	vgt.s32 v13, $0x0;
	vm8 =	vgt.s32 v10, $0x0;
	[tilespmem:s0+$0xFFFFFFF0] =	vst v31;
	v19 =	vld.idx.msk [tilespmem:v36+s18+$0x0], $0xffff  }
0x12c: {  	s10 =	sadd.s32 $0x100, s10;
	vm9 =	vgt.s32 v11, $0x0;
	vm6 =	vgt.s32 v8, $0x0;
	vm5 =	vgt.s32 v12, $0x0;
	[tilespmem:s0+$0x0] =	vst v20;
	v20 =	vld.idx.msk [tilespmem:v37+s18+$0x0], $0xffff  }
0x12d: {  	v5 =	vnsel vm1, $0x0, v5  }
0x12e: {  	v0 =	vnsel vm0, $0x0, v0;
	v5 =	vmin.u32 v5, $0x3F  }
0x12f: {  	v3 =	vnsel vm2, $0x0, v3;
	v0 =	vmin.u32 v0, $0x3F  }
0x130: {  	v9 =	vnsel vm3, $0x0, v9;
	v3 =	vmin.u32 v3, $0x3F  }
0x131: {  	v6 =	vnsel vm4, $0x0, v6;
	v9 =	vmin.u32 v9, $0x3F  }
0x132: {  	[tilespmem:s0+$0x10] =	vst v15;
	v14 =	vnsel vm7, $0x0, v14;
	v6 =	vmin.u32 v6, $0x3F  }
0x133: {  	[tilespmem:s0+$0x20] =	vst v16;
	v7 =	vnsel vm11, $0x0, v7;
	v14 =	vmin.u32 v14, $0x3F;
	v5 =	vld.idx.msk [tilespmem:v5+s18+$0x0], $0xffff  }
0x134: {  	v13 =	vnsel vm10, $0x0, v13;
	[tilespmem:s0+$0x30] =	vst v17;
	v7 =	vmin.u32 v7, $0x3F;
	v0 =	vld.idx.msk [tilespmem:v0+s18+$0x0], $0xffff  }
0x135: {  	v10 =	vnsel vm8, $0x0, v10;
	v13 =	vmin.u32 v13, $0x3F;
	[tilespmem:s0+$0x40] =	vst v18;
	v3 =	vld.idx.msk [tilespmem:v3+s18+$0x0], $0xffff  }
0x136: {  	v11 =	vnsel vm9, $0x0, v11;
	v10 =	vmin.u32 v10, $0x3F;
	[tilespmem:s0+$0x50] =	vst v19;
	v9 =	vld.idx.msk [tilespmem:v9+s18+$0x0], $0xffff  }
0x137: {  	v8 =	vnsel vm6, $0x0, v8;
	v11 =	vmin.u32 v11, $0x3F;
	[tilespmem:s0+$0x60] =	vst v20;
	v6 =	vld.idx.msk [tilespmem:v6+s18+$0x0], $0xffff  }
0x138: {  	vm13 =	vgt.s32 v2, $0x0;
	v12 =	vnsel vm5, $0x0, v12;
	v8 =	vmin.u32 v8, $0x3F;
	v57 =	vld.idx.msk [tilespmem:v14+s18+$0x0], $0xffff;
	[tilespmem:s3+$0xFFFFFF80] =	vst v5  }
0x139: {  	vm15 =	vgt.s32 v1, $0x0;
	v2 =	vnsel vm13, $0x0, v2;
	v12 =	vmin.u32 v12, $0x3F;
	v7 =	vld.idx.msk [tilespmem:v7+s18+$0x0], $0xffff;
	[tilespmem:s3+$0xFFFFFF90] =	vst v0  }
0x13a: {  	vm14 =	vgt.s32 v4, $0x0;
	v1 =	vnsel vm15, $0x0, v1;
	v2 =	vmin.u32 v2, $0x3F;
	v59 =	vld.idx.msk [tilespmem:v13+s18+$0x0], $0xffff;
	[tilespmem:s3+$0xFFFFFFA0] =	vst v3  }
0x13b: {  	v58 =	vnsel vm14, $0x0, v4;
	v1 =	vmin.u32 v1, $0x3F;
	v60 =	vld.idx.msk [tilespmem:v10+s18+$0x0], $0xffff;
	[tilespmem:s3+$0xFFFFFFB0] =	vst v9  }
0x13c: {  	v61 =	vld.idx.msk [tilespmem:v11+s18+$0x0], $0xffff;
	v0 =	vmin.u32 v58, $0x3F;
	[tilespmem:s3+$0xFFFFFFC0] =	vst v6  }
0x13d: {  	v62 =	vld.idx.msk [tilespmem:v8+s18+$0x0], $0xffff;
	[tilespmem:s3+$0xFFFFFFD0] =	vst v57  }
0x13e: {  	v63 =	vld.idx.msk [tilespmem:v12+s18+$0x0], $0xffff;
	[tilespmem:s3+$0xFFFFFFE0] =	vst v7  }
0x13f: {  	v2 =	vld.idx.msk [tilespmem:v2+s18+$0x0], $0xffff;
	[tilespmem:s3+$0xFFFFFFF0] =	vst v59  }
0x140: {  	v1 =	vld.idx.msk [tilespmem:v1+s18+$0x0], $0xffff;
	[tilespmem:s3+$0x0] =	vst v60  }
0x141: {  	[tilespmem:s3+$0x10] =	vst v61;
	v0 =	vld.idx.msk [tilespmem:v0+s18+$0x0], $0xffff  }
0x142: {  	p1 =	sne.s32 s2, $0x7;
	[tilespmem:s3+$0x20] =	vst v62  }
.Ltmp3:
0x143: {  	[tilespmem:s3+$0x30] =	vst v63;
	(pc) =	sbr.rel @p1 .LBB2_6-.Ltmp3, $4  }
0x144: {  	[tilespmem:s3+$0x40] =	vst v2  }
0x145: {  	s0 =	sshrl.u32 s8, $0x3;
	[tilespmem:s3+$0x60] =	vst v1  }
0x146: {  	s11 =	sadd.s32 s4, s0;
	[tilespmem:s3+$0x50] =	vst v0  }
0x147: {  	[hbm4b:s11+s5] =	stream.linear.scatter [tilespmem:s19], [sflag:$0x5], $0x2000, $0x38;
	[tilespmem:$0x10100] =	vst v63  }
.Ltmp4:
0x148: {  	(pc) =	sbr.rel .LBB2_7-.Ltmp4, $4  }
0x149: {  	_ = 	snop  }
0x14a: {  	_ =	swait.ge [sflag:s20], $0x2000  }
0x14b: {  	[sflag:s20] =	ssyncset.done $0x0  }
0x14c: {  	[sflag:s20] =	ssyncadd.s32 $0xFFFFE000  }
.LBB2_6:
0x14d: {  	s3 =	sadd.s32 s1, s0  }
.Ltmp5:
0x14e: {  	s3 =	sadd.s32 $0x1000, s3;
	(pc) =	sbr.rel @p0 .LBB2_8-.Ltmp5, $4  }
0x14f: {  	[tilespmem:s12], [sflag:$0x1] =	stream.linear.gather [hbm4b:s3+s5], $0x2000, $0x38;
	[tilespmem:$0x10100] =	vst v63  }
0x150: {  	_ =	swait.ge [sflag:s20], $0x2000  }
0x151: {  	[sflag:s20] =	ssyncset.done $0x0  }
0x152: {  	[sflag:s20] =	ssyncadd.s32 $0xFFFFE000  }
.LBB2_7:
0x153: {  	_ =	swait.ge [sflag:s21], $0x2000  }
0x154: {  	[sflag:s21] =	ssyncset.done $0x0  }
0x155: {  	[sflag:s21] =	ssyncadd.s32 $0xFFFFE000  }
.LBB2_8:
0x156: {  	s3 =	simm.s32 $0x2180  }
0x157: {  	v0 =	vld [tilespmem:s3+$0x70]  }
0x158: {  	v1 =	vld [tilespmem:s3+$0xFFFFFF90]  }
0x159: {  	v2 =	vld [tilespmem:s3+$0xFFFFFFA0]  }
0x15a: {  	v3 =	vld [tilespmem:s3+$0xFFFFFFB0]  }
0x15b: {  	v4 =	vld [tilespmem:s3+$0xFFFFFFC0]  }
0x15c: {  	v5 =	vld [tilespmem:s3+$0xFFFFFFD0]  }
0x15d: {  	v6 =	vld [tilespmem:s3+$0xFFFFFFE0]  }
0x15e: {  	v7 =	vld [tilespmem:s3+$0xFFFFFFF0]  }
0x15f: {  	v8 =	vld [tilespmem:s3+$0x0]  }
0x160: {  	v9 =	vld [tilespmem:s3+$0x10]  }
0x161: {  	v10 =	vld [tilespmem:s3+$0x20]  }
0x162: {  	v11 =	vld [tilespmem:s3+$0x30]  }
0x163: {  	v12 =	vld [tilespmem:s3+$0x40]  }
0x164: {  	v13 =	vld [tilespmem:s3+$0x50]  }
0x165: {  	v14 =	vld [tilespmem:s3+$0x60]  }
0x166: {  	s11 =	simm.s32 $0x2280;
	v15 =	vld [tilespmem:s3+$0xFFFFFF80]  }
0x167: {  	v16 =	vld [tilespmem:s11+$0x70]  }
0x168: {  	v17 =	vld [tilespmem:s11+$0xFFFFFF90]  }
0x169: {  	v18 =	vld [tilespmem:s11+$0xFFFFFFA0]  }
0x16a: {  	v19 =	vld [tilespmem:s11+$0xFFFFFFB0];
	v0 =	vmul.f32 $6.400000000e+01, v0  }
0x16b: {  	v20 =	vld [tilespmem:s11+$0xFFFFFFC0];
	v1 =	vmul.f32 $6.400000000e+01, v1;
	v2 =	vmul.f32 $6.400000000e+01, v2  }
0x16c: {  	v21 =	vld [tilespmem:s11+$0xFFFFFFD0];
	v3 =	vmul.f32 $6.400000000e+01, v3;
	v4 =	vmul.f32 $6.400000000e+01, v4  }
0x16d: {  	v22 =	vld [tilespmem:s11+$0xFFFFFFE0];
	v5 =	vmul.f32 $6.400000000e+01, v5;
	v6 =	vmul.f32 $6.400000000e+01, v6  }
0x16e: {  	v23 =	vld [tilespmem:s11+$0xFFFFFFF0];
	v7 =	vmul.f32 $6.400000000e+01, v7;
	v8 =	vmul.f32 $6.400000000e+01, v8  }
0x16f: {  	v24 =	vld [tilespmem:s11+$0x0];
	v9 =	vmul.f32 $6.400000000e+01, v9;
	v10 =	vmul.f32 $6.400000000e+01, v10  }
0x170: {  	v25 =	vld [tilespmem:s11+$0x10];
	v11 =	vmul.f32 $6.400000000e+01, v11;
	v12 =	vmul.f32 $6.400000000e+01, v12  }
0x171: {  	v26 =	vld [tilespmem:s11+$0x20];
	v13 =	vmul.f32 $6.400000000e+01, v13;
	v14 =	vmul.f32 $6.400000000e+01, v14  }
0x172: {  	v27 =	vld [tilespmem:s11+$0x30];
	v15 =	vmul.f32 $6.400000000e+01, v15;
	v16 =	vmul.f32 $6.400000000e+01, v16  }
0x173: {  	v28 =	vld [tilespmem:s11+$0x40];
	v17 =	vmul.f32 $6.400000000e+01, v17;
	v18 =	vmul.f32 $6.400000000e+01, v18  }
0x174: {  	v29 =	vld [tilespmem:s11+$0x50];
	v19 =	vmul.f32 $6.400000000e+01, v19;
	v20 =	vmul.f32 $6.400000000e+01, v20  }
0x175: {  	v21 =	vmul.f32 $6.400000000e+01, v21;
	v22 =	vmul.f32 $6.400000000e+01, v22  }
0x176: {  	v23 =	vmul.f32 $6.400000000e+01, v23;
	v24 =	vmul.f32 $6.400000000e+01, v24  }
0x177: {  	v25 =	vmul.f32 $6.400000000e+01, v25;
	v26 =	vmul.f32 $6.400000000e+01, v26  }
0x178: {  	v27 =	vmul.f32 $6.400000000e+01, v27;
	v28 =	vmul.f32 $6.400000000e+01, v28  }
0x179: {  	v29 =	vmul.f32 $6.400000000e+01, v29;
	v0 =	vtrunc.f32 v0  }
0x17a: {  	v1 =	vtrunc.f32 v1;
	v2 =	vtrunc.f32 v2  }
0x17b: {  	v3 =	vtrunc.f32 v3;
	v4 =	vtrunc.f32 v4  }
0x17c: {  	v5 =	vtrunc.f32 v5;
	v6 =	vtrunc.f32 v6  }
0x17d: {  	v7 =	vtrunc.f32 v7;
	v8 =	vtrunc.f32 v8  }
0x17e: {  	v9 =	vtrunc.f32 v9;
	v10 =	vtrunc.f32 v10  }
0x17f: {  	v11 =	vtrunc.f32 v11;
	v12 =	vtrunc.f32 v12  }
0x180: {  	v13 =	vtrunc.f32 v13;
	v14 =	vtrunc.f32 v14  }
0x181: {  	v15 =	vtrunc.f32 v15;
	v16 =	vtrunc.f32 v16  }
0x182: {  	v17 =	vtrunc.f32 v17;
	v18 =	vtrunc.f32 v18  }
0x183: {  	v19 =	vtrunc.f32 v19;
	v20 =	vtrunc.f32 v20  }
0x184: {  	v21 =	vtrunc.f32 v21;
	v22 =	vtrunc.f32 v22  }
0x185: {  	v23 =	vtrunc.f32 v23;
	v24 =	vtrunc.f32 v24  }
0x186: {  	v25 =	vtrunc.f32 v25;
	v26 =	vtrunc.f32 v26  }
0x187: {  	v27 =	vtrunc.f32 v27;
	v28 =	vtrunc.f32 v28  }
0x188: {  	v29 =	vtrunc.f32 v29;
	v0 =	vcvt.f32.s32 v0  }
0x189: {  	v1 =	vcvt.f32.s32 v1;
	v15 =	vcvt.f32.s32 v15  }
0x18a: {  	v2 =	vcvt.f32.s32 v2;
	v3 =	vcvt.f32.s32 v3  }
0x18b: {  	v4 =	vcvt.f32.s32 v4;
	v5 =	vcvt.f32.s32 v5  }
0x18c: {  	v6 =	vcvt.f32.s32 v6;
	v7 =	vcvt.f32.s32 v7  }
0x18d: {  	v8 =	vcvt.f32.s32 v8;
	v9 =	vcvt.f32.s32 v9  }
0x18e: {  	v10 =	vcvt.f32.s32 v10;
	v11 =	vcvt.f32.s32 v11  }
0x18f: {  	v12 =	vcvt.f32.s32 v12;
	v13 =	vcvt.f32.s32 v13  }
0x190: {  	v14 =	vcvt.f32.s32 v14;
	v16 =	vcvt.f32.s32 v16;
	vm0 =	vgt.s32 v0, $0x0  }
0x191: {  	vm1 =	vgt.s32 v15, $0x0;
	vm2 =	vgt.s32 v2, $0x0;
	vm3 =	vgt.s32 v3, $0x0  }
0x192: {  	vm4 =	vgt.s32 v4, $0x0;
	vm5 =	vgt.s32 v5, $0x0;
	vm6 =	vgt.s32 v6, $0x0  }
0x193: {  	vm7 =	vgt.s32 v7, $0x0;
	vm8 =	vgt.s32 v8, $0x0;
	vm9 =	vgt.s32 v9, $0x0  }
0x194: {  	vm10 =	vgt.s32 v10, $0x0;
	vm11 =	vgt.s32 v11, $0x0;
	vm13 =	vgt.s32 v13, $0x0  }
0x195: {  	vm14 =	vgt.s32 v14, $0x0;
	v0 =	vnsel vm0, $0x0, v0;
	vm0 =	vgt.s32 v1, $0x0  }
0x196: {  	v15 =	vnsel vm1, $0x0, v15;
	v2 =	vnsel vm2, $0x0, v2;
	v0 =	vmin.u32 v0, $0x3F  }
0x197: {  	v3 =	vnsel vm3, $0x0, v3;
	v4 =	vnsel vm4, $0x0, v4;
	v15 =	vmin.u32 v15, $0x3F  }
0x198: {  	v5 =	vnsel vm5, $0x0, v5;
	v6 =	vnsel vm6, $0x0, v6;
	v2 =	vmin.u32 v2, $0x3F  }
0x199: {  	v30 =	vld [tilespmem:s11+$0x60];
	v7 =	vnsel vm7, $0x0, v7;
	v8 =	vnsel vm8, $0x0, v8;
	v3 =	vmin.u32 v3, $0x3F  }
0x19a: {  	v31 =	vld [tilespmem:s11+$0xFFFFFF80];
	v9 =	vnsel vm9, $0x0, v9;
	v10 =	vnsel vm10, $0x0, v10;
	v4 =	vmin.u32 v4, $0x3F  }
0x19b: {  	v1 =	vnsel vm0, $0x0, v1;
	vm0 =	vgt.s32 v16, $0x0;
	v7 =	vmin.u32 v7, $0x3F;
	v0 =	vld.idx.msk [tilespmem:v0+s18+$0x0], $0xffff  }
0x19c: {  	v11 =	vnsel vm11, $0x0, v11;
	v1 =	vmin.u32 v1, $0x3F;
	v16 =	vnsel vm0, $0x0, v16;
	v15 =	vld.idx.msk [tilespmem:v15+s18+$0x0], $0xffff  }
0x19d: {  	v13 =	vnsel vm13, $0x0, v13;
	v14 =	vnsel vm14, $0x0, v14;
	v16 =	vmin.u32 v16, $0x3F;
	v2 =	vld.idx.msk [tilespmem:v2+s18+$0x0], $0xffff  }
0x19e: {  	v5 =	vmin.u32 v5, $0x3F;
	v32 =	vmin.u32 v9, $0x3F;
	v9 =	vmul.f32 $6.400000000e+01, v30;
	v63 =	vld.idx.msk [tilespmem:v3+s18+$0x0], $0xffff  }
0x19f: {  	v6 =	vmin.u32 v6, $0x3F;
	v62 =	vmin.u32 v10, $0x3F;
	v10 =	vmul.f32 $6.400000000e+01, v31;
	v4 =	vld.idx.msk [tilespmem:v4+s18+$0x0], $0xffff  }
0x1a0: {  	s3 =	simm.s32 $0xA180;
	v8 =	vmin.u32 v8, $0x3F;
	v34 =	vtrunc.f32 v9;
	v9 =	vcvt.f32.s32 v19;
	v19 =	vld.idx.msk [tilespmem:v7+s18+$0x0], $0xffff  }
0x1a1: {  	v33 =	vmin.u32 v11, $0x3F;
	v37 =	vmin.u32 v14, $0x3F;
	v14 =	vcvt.f32.s32 v21;
	v1 =	vld.idx.msk [tilespmem:v1+s18+$0x0], $0xffff;
	[tilespmem:s3+$0x70] =	vst v0  }
0x1a2: {  	v36 =	vmin.u32 v13, $0x3F;
	v13 =	vcvt.f32.s32 v23;
	v11 =	vcvt.f32.s32 v25;
	v16 =	vld.idx.msk [tilespmem:v16+s18+$0x0], $0xffff;
	[tilespmem:s3+$0xFFFFFF80] =	vst v15  }
0x1a3: {  	vm12 =	vgt.s32 v12, $0x0;
	v3 =	vtrunc.f32 v10;
	v0 =	vcvt.f32.s32 v17;
	v17 =	vld.idx.msk [tilespmem:v5+s18+$0x0], $0xffff;
	[tilespmem:s3+$0xFFFFFFA0] =	vst v2  }
0x1a4: {  	v12 =	vnsel vm12, $0x0, v12;
	v5 =	vcvt.f32.s32 v3;
	v3 =	vcvt.f32.s32 v18;
	v18 =	vld.idx.msk [tilespmem:v6+s18+$0x0], $0xffff;
	[tilespmem:s3+$0xFFFFFFB0] =	vst v63  }
0x1a5: {  	v35 =	vmin.u32 v12, $0x3F;
	v12 =	vcvt.f32.s32 v27;
	v6 =	vcvt.f32.s32 v20;
	v20 =	vld.idx.msk [tilespmem:v8+s18+$0x0], $0xffff;
	[tilespmem:s3+$0xFFFFFFC0] =	vst v4  }
0x1a6: {  	vm9 =	vgt.s32 v14, $0x0;
	vm10 =	vgt.s32 v13, $0x0;
	v7 =	vcvt.f32.s32 v22;
	v15 =	vld.idx.msk [tilespmem:v32+s18+$0x0], $0xffff;
	[tilespmem:s3+$0xFFFFFFF0] =	vst v19  }
0x1a7: {  	s8 =	simm.s32 $0xA280;
	vm8 =	vgt.s32 v11, $0x0;
	vm4 =	vgt.s32 v12, $0x0;
	v10 =	vcvt.f32.s32 v24;
	v19 =	vld.idx.msk [tilespmem:v36+s18+$0x0], $0xffff;
	[tilespmem:s3+$0xFFFFFF90] =	vst v1  }
0x1a8: {  	vm3 =	vgt.s32 v9, $0x0;
	vm11 =	vgt.s32 v7, $0x0;
	v8 =	vcvt.f32.s32 v26;
	[tilespmem:s8+$0x70] =	vst v16;
	v16 =	vld.idx.msk [tilespmem:v62+s18+$0x0], $0xffff  }
0x1a9: {  	vm7 =	vgt.s32 v10, $0x0;
	v2 =	vcvt.f32.s32 v28;
	v4 =	vcvt.f32.s32 v29;
	[tilespmem:s3+$0xFFFFFFD0] =	vst v17;
	v17 =	vld.idx.msk [tilespmem:v33+s18+$0x0], $0xffff  }
0x1aa: {  	v1 =	vcvt.f32.s32 v34;
	vm0 =	vgt.s32 v0, $0x0;
	vm1 =	vgt.s32 v5, $0x0;
	[tilespmem:s3+$0xFFFFFFE0] =	vst v18;
	v18 =	vld.idx.msk [tilespmem:v35+s18+$0x0], $0xffff  }
0x1ab: {  	s9 =	simm.s32 $0x10;
	s10 =	simm.s32 $0x2380;
	vm2 =	vgt.s32 v3, $0x0;
	vm5 =	vgt.s32 v6, $0x0;
	vm6 =	vgt.s32 v8, $0x0;
	[tilespmem:s3+$0x0] =	vst v20;
	v20 =	vld.idx.msk [tilespmem:v37+s18+$0x0], $0xffff  }
.LBB2_9:
0x1ac: {  	v21 =	vld [tilespmem:s10+$0x70];
	s9 =	sadd.s32 $0x10, s9;
	vm13 =	vgt.s32 v2, $0x0;
	vm14 =	vgt.s32 v4, $0x0;
	vm12 =	vgt.s32 v1, $0x0;
	[tilespmem:s3+$0x10] =	vst v15  }
0x1ad: {  	v5 =	vnsel vm1, $0x0, v5;
	v0 =	vnsel vm0, $0x0, v0;
	v3 =	vnsel vm2, $0x0, v3;
	v15 =	vld [tilespmem:s10+$0xFFFFFF90];
	p2 =	slt.u32 s9, $0x1F0;
	[tilespmem:s3+$0x20] =	vst v16  }
0x1ae: {  	v9 =	vnsel vm3, $0x0, v9;
	v6 =	vnsel vm5, $0x0, v6;
	v14 =	vnsel vm9, $0x0, v14;
	v16 =	vld [tilespmem:s10+$0xFFFFFFA0];
	[tilespmem:s3+$0x30] =	vst v17  }
0x1af: {  	v7 =	vnsel vm11, $0x0, v7;
	v13 =	vnsel vm10, $0x0, v13;
	v10 =	vnsel vm7, $0x0, v10;
	v17 =	vld [tilespmem:s10+$0xFFFFFFB0];
	[tilespmem:s3+$0x40] =	vst v18  }
0x1b0: {  	v11 =	vnsel vm8, $0x0, v11;
	v8 =	vnsel vm6, $0x0, v8;
	v12 =	vnsel vm4, $0x0, v12;
	v18 =	vld [tilespmem:s10+$0xFFFFFFC0];
	[tilespmem:s3+$0x50] =	vst v19  }
0x1b1: {  	v2 =	vnsel vm13, $0x0, v2;
	v4 =	vnsel vm14, $0x0, v4;
	v19 =	vld [tilespmem:s10+$0xFFFFFFD0];
	v21 =	vmul.f32 $6.400000000e+01, v21;
	[tilespmem:s3+$0x60] =	vst v20;
	s3 =	smov.u32 s8  }
0x1b2: {  	v5 =	vmin.u32 v5, $0x3F;
	v1 =	vnsel vm12, $0x0, v1;
	v15 =	vmul.f32 $6.400000000e+01, v15;
	v20 =	vld [tilespmem:s10+$0xFFFFFFE0]  }
0x1b3: {  	v0 =	vmin.u32 v0, $0x3F;
	v16 =	vmul.f32 $6.400000000e+01, v16;
	v22 =	vld [tilespmem:s10+$0xFFFFFFF0];
	v21 =	vtrunc.f32 v21  }
0x1b4: {  	v3 =	vmin.u32 v3, $0x3F;
	v17 =	vmul.f32 $6.400000000e+01, v17;
	v23 =	vld [tilespmem:s10+$0x0];
	v21 =	vcvt.f32.s32 v21  }
0x1b5: {  	v9 =	vmin.u32 v9, $0x3F;
	v15 =	vtrunc.f32 v15;
	v18 =	vmul.f32 $6.400000000e+01, v18;
	v24 =	vld [tilespmem:s10+$0x10]  }
0x1b6: {  	v16 =	vtrunc.f32 v16;
	v19 =	vmul.f32 $6.400000000e+01, v19;
	v25 =	vld [tilespmem:s10+$0x20];
	vm0 =	vgt.s32 v21, $0x0  }
0x1b7: {  	v17 =	vtrunc.f32 v17;
	v20 =	vmul.f32 $6.400000000e+01, v20;
	v26 =	vld [tilespmem:s10+$0x30];
	v21 =	vnsel vm0, $0x0, v21  }
0x1b8: {  	v18 =	vtrunc.f32 v18;
	v22 =	vmul.f32 $6.400000000e+01, v22;
	v27 =	vld [tilespmem:s10+$0x40];
	v21 =	vmin.u32 v21, $0x3F  }
0x1b9: {  	v6 =	vmin.u32 v6, $0x3F;
	v19 =	vtrunc.f32 v19;
	v23 =	vmul.f32 $6.400000000e+01, v23;
	v28 =	vld [tilespmem:s10+$0x50]  }
0x1ba: {  	v14 =	vmin.u32 v14, $0x3F;
	v20 =	vtrunc.f32 v20;
	v24 =	vmul.f32 $6.400000000e+01, v24;
	v29 =	vld [tilespmem:s10+$0x60]  }
0x1bb: {  	v7 =	vmin.u32 v7, $0x3F;
	v22 =	vtrunc.f32 v22;
	v30 =	vld [tilespmem:s10+$0xFFFFFF80];
	v25 =	vmul.f32 $6.400000000e+01, v25  }
0x1bc: {  	v13 =	vmin.u32 v13, $0x3F;
	v23 =	vtrunc.f32 v23;
	v26 =	vmul.f32 $6.400000000e+01, v26;
	v5 =	vld.idx.msk [tilespmem:v5+s18+$0x0], $0xffff  }
0x1bd: {  	v10 =	vmin.u32 v10, $0x3F;
	v24 =	vtrunc.f32 v24;
	v27 =	vmul.f32 $6.400000000e+01, v27;
	v21 =	vld.idx.msk [tilespmem:v21+s18+$0x0], $0xffff  }
0x1be: {  	v11 =	vmin.u32 v11, $0x3F;
	v25 =	vtrunc.f32 v25;
	v28 =	vmul.f32 $6.400000000e+01, v28;
	v31 =	vld.idx.msk [tilespmem:v0+s18+$0x0], $0xffff  }
0x1bf: {  	v32 =	vmin.u32 v8, $0x3F;
	v26 =	vtrunc.f32 v26;
	v0 =	vmul.f32 $6.400000000e+01, v29;
	v29 =	vld.idx.msk [tilespmem:v3+s18+$0x0], $0xffff  }
0x1c0: {  	v27 =	vtrunc.f32 v27;
	v3 =	vmul.f32 $6.400000000e+01, v30;
	v8 =	vld.idx.msk [tilespmem:v9+s18+$0x0], $0xffff;
	v30 =	vmin.u32 v12, $0x3F  }
0x1c1: {  	v34 =	vmin.u32 v2, $0x3F;
	v28 =	vtrunc.f32 v28;
	v33 =	vtrunc.f32 v0;
	v12 =	vld.idx.msk [tilespmem:v6+s18+$0x0], $0xffff  }
0x1c2: {  	v36 =	vmin.u32 v4, $0x3F;
	s8 =	sadd.s32 $0x100, s8;
	v0 =	vcvt.f32.s32 v15;
	v2 =	vtrunc.f32 v3;
	[tilespmem:s3+$0xFFFFFF80] =	vst v5;
	v35 =	vld.idx.msk [tilespmem:v14+s18+$0x0], $0xffff  }
0x1c3: {  	v37 =	vmin.u32 v1, $0x3F;
	v3 =	vcvt.f32.s32 v16;
	v5 =	vcvt.f32.s32 v2;
	[tilespmem:s8+$0x70] =	vst v21;
	v21 =	vld.idx.msk [tilespmem:v7+s18+$0x0], $0xffff  }
0x1c4: {  	v9 =	vcvt.f32.s32 v17;
	v6 =	vcvt.f32.s32 v18;
	vm0 =	vgt.s32 v0, $0x0;
	[tilespmem:s3+$0xFFFFFF90] =	vst v31;
	v31 =	vld.idx.msk [tilespmem:v13+s18+$0x0], $0xffff  }
0x1c5: {  	v14 =	vcvt.f32.s32 v19;
	v7 =	vcvt.f32.s32 v20;
	vm1 =	vgt.s32 v5, $0x0;
	[tilespmem:s3+$0xFFFFFFA0] =	vst v29;
	v20 =	vld.idx.msk [tilespmem:v10+s18+$0x0], $0xffff  }
0x1c6: {  	vm2 =	vgt.s32 v3, $0x0;
	v13 =	vcvt.f32.s32 v22;
	v10 =	vcvt.f32.s32 v23;
	[tilespmem:s3+$0xFFFFFFB0] =	vst v8;
	v15 =	vld.idx.msk [tilespmem:v11+s18+$0x0], $0xffff  }
.Ltmp6:
0x1c7: {  	vm3 =	vgt.s32 v9, $0x0;
	v11 =	vcvt.f32.s32 v24;
	v8 =	vcvt.f32.s32 v25;
	[tilespmem:s3+$0xFFFFFFC0] =	vst v12;
	v16 =	vld.idx.msk [tilespmem:v32+s18+$0x0], $0xffff;
	(pc) =	sbr.rel @p2 .LBB2_9-.Ltmp6, $4  }
0x1c8: {  	vm5 =	vgt.s32 v6, $0x0;
	v2 =	vcvt.f32.s32 v27;
	v12 =	vcvt.f32.s32 v26;
	[tilespmem:s3+$0xFFFFFFD0] =	vst v35;
	v17 =	vld.idx.msk [tilespmem:v30+s18+$0x0], $0xffff  }
0x1c9: {  	v4 =	vcvt.f32.s32 v28;
	v1 =	vcvt.f32.s32 v33;
	vm9 =	vgt.s32 v14, $0x0;
	[tilespmem:s3+$0xFFFFFFE0] =	vst v21;
	v18 =	vld.idx.msk [tilespmem:v34+s18+$0x0], $0xffff  }
0x1ca: {  	vm11 =	vgt.s32 v7, $0x0;
	vm10 =	vgt.s32 v13, $0x0;
	vm7 =	vgt.s32 v10, $0x0;
	[tilespmem:s3+$0xFFFFFFF0] =	vst v31;
	v19 =	vld.idx.msk [tilespmem:v36+s18+$0x0], $0xffff  }
0x1cb: {  	s10 =	sadd.s32 $0x100, s10;
	vm8 =	vgt.s32 v11, $0x0;
	vm6 =	vgt.s32 v8, $0x0;
	vm4 =	vgt.s32 v12, $0x0;
	[tilespmem:s3+$0x0] =	vst v20;
	v20 =	vld.idx.msk [tilespmem:v37+s18+$0x0], $0xffff  }
0x1cc: {  	v5 =	vnsel vm1, $0x0, v5  }
0x1cd: {  	v0 =	vnsel vm0, $0x0, v0;
	v5 =	vmin.u32 v5, $0x3F  }
0x1ce: {  	v3 =	vnsel vm2, $0x0, v3;
	v0 =	vmin.u32 v0, $0x3F  }
0x1cf: {  	v9 =	vnsel vm3, $0x0, v9;
	v3 =	vmin.u32 v3, $0x3F  }
0x1d0: {  	v6 =	vnsel vm5, $0x0, v6;
	v9 =	vmin.u32 v9, $0x3F  }
0x1d1: {  	[tilespmem:s3+$0x10] =	vst v15;
	v14 =	vnsel vm9, $0x0, v14;
	v6 =	vmin.u32 v6, $0x3F  }
0x1d2: {  	[tilespmem:s3+$0x20] =	vst v16;
	v7 =	vnsel vm11, $0x0, v7;
	v14 =	vmin.u32 v14, $0x3F;
	v5 =	vld.idx.msk [tilespmem:v5+s18+$0x0], $0xffff  }
0x1d3: {  	v13 =	vnsel vm10, $0x0, v13;
	[tilespmem:s3+$0x30] =	vst v17;
	v7 =	vmin.u32 v7, $0x3F;
	v0 =	vld.idx.msk [tilespmem:v0+s18+$0x0], $0xffff  }
0x1d4: {  	v10 =	vnsel vm7, $0x0, v10;
	v13 =	vmin.u32 v13, $0x3F;
	[tilespmem:s3+$0x40] =	vst v18;
	v3 =	vld.idx.msk [tilespmem:v3+s18+$0x0], $0xffff  }
0x1d5: {  	v11 =	vnsel vm8, $0x0, v11;
	v10 =	vmin.u32 v10, $0x3F;
	[tilespmem:s3+$0x50] =	vst v19;
	v9 =	vld.idx.msk [tilespmem:v9+s18+$0x0], $0xffff  }
0x1d6: {  	v8 =	vnsel vm6, $0x0, v8;
	v11 =	vmin.u32 v11, $0x3F;
	[tilespmem:s3+$0x60] =	vst v20;
	v6 =	vld.idx.msk [tilespmem:v6+s18+$0x0], $0xffff  }
0x1d7: {  	vm13 =	vgt.s32 v2, $0x0;
	v12 =	vnsel vm4, $0x0, v12;
	v8 =	vmin.u32 v8, $0x3F;
	v57 =	vld.idx.msk [tilespmem:v14+s18+$0x0], $0xffff;
	[tilespmem:s8+$0xFFFFFF80] =	vst v5  }
0x1d8: {  	vm15 =	vgt.s32 v1, $0x0;
	v2 =	vnsel vm13, $0x0, v2;
	v12 =	vmin.u32 v12, $0x3F;
	v7 =	vld.idx.msk [tilespmem:v7+s18+$0x0], $0xffff;
	[tilespmem:s8+$0xFFFFFF90] =	vst v0  }
0x1d9: {  	vm14 =	vgt.s32 v4, $0x0;
	v1 =	vnsel vm15, $0x0, v1;
	v2 =	vmin.u32 v2, $0x3F;
	v59 =	vld.idx.msk [tilespmem:v13+s18+$0x0], $0xffff;
	[tilespmem:s8+$0xFFFFFFA0] =	vst v3  }
0x1da: {  	v58 =	vnsel vm14, $0x0, v4;
	v1 =	vmin.u32 v1, $0x3F;
	v60 =	vld.idx.msk [tilespmem:v10+s18+$0x0], $0xffff;
	[tilespmem:s8+$0xFFFFFFB0] =	vst v9  }
0x1db: {  	v61 =	vld.idx.msk [tilespmem:v11+s18+$0x0], $0xffff;
	v0 =	vmin.u32 v58, $0x3F;
	[tilespmem:s8+$0xFFFFFFC0] =	vst v6  }
0x1dc: {  	v62 =	vld.idx.msk [tilespmem:v8+s18+$0x0], $0xffff;
	[tilespmem:s8+$0xFFFFFFD0] =	vst v57  }
0x1dd: {  	v63 =	vld.idx.msk [tilespmem:v12+s18+$0x0], $0xffff;
	[tilespmem:s8+$0xFFFFFFE0] =	vst v7  }
0x1de: {  	v2 =	vld.idx.msk [tilespmem:v2+s18+$0x0], $0xffff;
	[tilespmem:s8+$0xFFFFFFF0] =	vst v59  }
0x1df: {  	v1 =	vld.idx.msk [tilespmem:v1+s18+$0x0], $0xffff;
	[tilespmem:s8+$0x0] =	vst v60  }
0x1e0: {  	[tilespmem:s8+$0x10] =	vst v61;
	v0 =	vld.idx.msk [tilespmem:v0+s18+$0x0], $0xffff  }
0x1e1: {  	[tilespmem:s8+$0x20] =	vst v62  }
.Ltmp7:
0x1e2: {  	[tilespmem:s8+$0x30] =	vst v63;
	(pc) =	sbr.rel @p1 .LBB2_12-.Ltmp7, $4  }
0x1e3: {  	[tilespmem:s8+$0x40] =	vst v2  }
0x1e4: {  	s3 =	sadd.s32 s0, s4;
	[tilespmem:s8+$0x60] =	vst v1  }
0x1e5: {  	s11 =	sadd.s32 $0x400, s3;
	[tilespmem:s8+$0x50] =	vst v0  }
0x1e6: {  	[hbm4b:s11+s5] =	stream.linear.scatter [tilespmem:s22], [sflag:$0x6], $0x2000, $0x38;
	[tilespmem:$0x10100] =	vst v63  }
.Ltmp8:
0x1e7: {  	(pc) =	sbr.rel .LBB2_13-.Ltmp8, $4  }
0x1e8: {  	_ = 	snop  }
0x1e9: {  	_ =	swait.ge [sflag:s23], $0x2000  }
0x1ea: {  	[sflag:s23] =	ssyncset.done $0x0  }
0x1eb: {  	[sflag:s23] =	ssyncadd.s32 $0xFFFFE000  }
.LBB2_12:
0x1ec: {  	s8 =	sadd.s32 s1, s0  }
.Ltmp9:
0x1ed: {  	s8 =	sadd.s32 $0x1400, s8;
	(pc) =	sbr.rel @p0 .LBB2_14-.Ltmp9, $4  }
0x1ee: {  	[tilespmem:s13], [sflag:$0x2] =	stream.linear.gather [hbm4b:s8+s5], $0x2000, $0x38;
	[tilespmem:$0x10100] =	vst v63  }
0x1ef: {  	_ =	swait.ge [sflag:s23], $0x2000  }
0x1f0: {  	[sflag:s23] =	ssyncset.done $0x0  }
0x1f1: {  	[sflag:s23] =	ssyncadd.s32 $0xFFFFE000  }
.LBB2_13:
0x1f2: {  	_ =	swait.ge [sflag:s24], $0x2000  }
0x1f3: {  	[sflag:s24] =	ssyncset.done $0x0  }
0x1f4: {  	[sflag:s24] =	ssyncadd.s32 $0xFFFFE000  }
.LBB2_14:
0x1f5: {  	s8 =	simm.s32 $0x4180  }
0x1f6: {  	v0 =	vld [tilespmem:s8+$0x70]  }
0x1f7: {  	v1 =	vld [tilespmem:s8+$0xFFFFFF90]  }
0x1f8: {  	v2 =	vld [tilespmem:s8+$0xFFFFFFA0]  }
0x1f9: {  	v3 =	vld [tilespmem:s8+$0xFFFFFFB0]  }
0x1fa: {  	v4 =	vld [tilespmem:s8+$0xFFFFFFC0]  }
0x1fb: {  	v5 =	vld [tilespmem:s8+$0xFFFFFFD0]  }
0x1fc: {  	v6 =	vld [tilespmem:s8+$0xFFFFFFE0]  }
0x1fd: {  	v7 =	vld [tilespmem:s8+$0xFFFFFFF0]  }
0x1fe: {  	v8 =	vld [tilespmem:s8+$0x0]  }
0x1ff: {  	v9 =	vld [tilespmem:s8+$0x10]  }
0x200: {  	v10 =	vld [tilespmem:s8+$0x20]  }
0x201: {  	v11 =	vld [tilespmem:s8+$0x30]  }
0x202: {  	v12 =	vld [tilespmem:s8+$0x40]  }
0x203: {  	v13 =	vld [tilespmem:s8+$0x50]  }
0x204: {  	v14 =	vld [tilespmem:s8+$0x60]  }
0x205: {  	s11 =	simm.s32 $0x4280;
	v15 =	vld [tilespmem:s8+$0xFFFFFF80]  }
0x206: {  	v16 =	vld [tilespmem:s11+$0x70]  }
0x207: {  	v17 =	vld [tilespmem:s11+$0xFFFFFF90]  }
0x208: {  	v18 =	vld [tilespmem:s11+$0xFFFFFFA0]  }
0x209: {  	v19 =	vld [tilespmem:s11+$0xFFFFFFB0];
	v0 =	vmul.f32 $6.400000000e+01, v0  }
0x20a: {  	v20 =	vld [tilespmem:s11+$0xFFFFFFC0];
	v1 =	vmul.f32 $6.400000000e+01, v1;
	v2 =	vmul.f32 $6.400000000e+01, v2  }
0x20b: {  	v21 =	vld [tilespmem:s11+$0xFFFFFFD0];
	v3 =	vmul.f32 $6.400000000e+01, v3;
	v4 =	vmul.f32 $6.400000000e+01, v4  }
0x20c: {  	v22 =	vld [tilespmem:s11+$0xFFFFFFE0];
	v5 =	vmul.f32 $6.400000000e+01, v5;
	v6 =	vmul.f32 $6.400000000e+01, v6  }
0x20d: {  	v23 =	vld [tilespmem:s11+$0xFFFFFFF0];
	v7 =	vmul.f32 $6.400000000e+01, v7;
	v8 =	vmul.f32 $6.400000000e+01, v8  }
0x20e: {  	v24 =	vld [tilespmem:s11+$0x0];
	v9 =	vmul.f32 $6.400000000e+01, v9;
	v10 =	vmul.f32 $6.400000000e+01, v10  }
0x20f: {  	v25 =	vld [tilespmem:s11+$0x10];
	v11 =	vmul.f32 $6.400000000e+01, v11;
	v12 =	vmul.f32 $6.400000000e+01, v12  }
0x210: {  	v26 =	vld [tilespmem:s11+$0x20];
	v13 =	vmul.f32 $6.400000000e+01, v13;
	v14 =	vmul.f32 $6.400000000e+01, v14  }
0x211: {  	v27 =	vld [tilespmem:s11+$0x30];
	v15 =	vmul.f32 $6.400000000e+01, v15;
	v16 =	vmul.f32 $6.400000000e+01, v16  }
0x212: {  	v28 =	vld [tilespmem:s11+$0x40];
	v17 =	vmul.f32 $6.400000000e+01, v17;
	v18 =	vmul.f32 $6.400000000e+01, v18  }
0x213: {  	v29 =	vld [tilespmem:s11+$0x50];
	v19 =	vmul.f32 $6.400000000e+01, v19;
	v20 =	vmul.f32 $6.400000000e+01, v20  }
0x214: {  	v21 =	vmul.f32 $6.400000000e+01, v21;
	v22 =	vmul.f32 $6.400000000e+01, v22  }
0x215: {  	v23 =	vmul.f32 $6.400000000e+01, v23;
	v24 =	vmul.f32 $6.400000000e+01, v24  }
0x216: {  	v25 =	vmul.f32 $6.400000000e+01, v25;
	v26 =	vmul.f32 $6.400000000e+01, v26  }
0x217: {  	v27 =	vmul.f32 $6.400000000e+01, v27;
	v28 =	vmul.f32 $6.400000000e+01, v28  }
0x218: {  	v29 =	vmul.f32 $6.400000000e+01, v29;
	v0 =	vtrunc.f32 v0  }
0x219: {  	v1 =	vtrunc.f32 v1;
	v2 =	vtrunc.f32 v2  }
0x21a: {  	v3 =	vtrunc.f32 v3;
	v4 =	vtrunc.f32 v4  }
0x21b: {  	v5 =	vtrunc.f32 v5;
	v6 =	vtrunc.f32 v6  }
0x21c: {  	v7 =	vtrunc.f32 v7;
	v8 =	vtrunc.f32 v8  }
0x21d: {  	v9 =	vtrunc.f32 v9;
	v10 =	vtrunc.f32 v10  }
0x21e: {  	v11 =	vtrunc.f32 v11;
	v12 =	vtrunc.f32 v12  }
0x21f: {  	v13 =	vtrunc.f32 v13;
	v14 =	vtrunc.f32 v14  }
0x220: {  	v15 =	vtrunc.f32 v15;
	v16 =	vtrunc.f32 v16  }
0x221: {  	v17 =	vtrunc.f32 v17;
	v18 =	vtrunc.f32 v18  }
0x222: {  	v19 =	vtrunc.f32 v19;
	v20 =	vtrunc.f32 v20  }
0x223: {  	v21 =	vtrunc.f32 v21;
	v22 =	vtrunc.f32 v22  }
0x224: {  	v23 =	vtrunc.f32 v23;
	v24 =	vtrunc.f32 v24  }
0x225: {  	v25 =	vtrunc.f32 v25;
	v26 =	vtrunc.f32 v26  }
0x226: {  	v27 =	vtrunc.f32 v27;
	v28 =	vtrunc.f32 v28  }
0x227: {  	v29 =	vtrunc.f32 v29;
	v0 =	vcvt.f32.s32 v0  }
0x228: {  	v1 =	vcvt.f32.s32 v1;
	v15 =	vcvt.f32.s32 v15  }
0x229: {  	v2 =	vcvt.f32.s32 v2;
	v3 =	vcvt.f32.s32 v3  }
0x22a: {  	v4 =	vcvt.f32.s32 v4;
	v5 =	vcvt.f32.s32 v5  }
0x22b: {  	v6 =	vcvt.f32.s32 v6;
	v7 =	vcvt.f32.s32 v7  }
0x22c: {  	v8 =	vcvt.f32.s32 v8;
	v9 =	vcvt.f32.s32 v9  }
0x22d: {  	v10 =	vcvt.f32.s32 v10;
	v11 =	vcvt.f32.s32 v11  }
0x22e: {  	v12 =	vcvt.f32.s32 v12;
	v13 =	vcvt.f32.s32 v13  }
0x22f: {  	v14 =	vcvt.f32.s32 v14;
	v16 =	vcvt.f32.s32 v16;
	vm0 =	vgt.s32 v0, $0x0  }
0x230: {  	vm1 =	vgt.s32 v15, $0x0;
	vm2 =	vgt.s32 v2, $0x0;
	vm3 =	vgt.s32 v3, $0x0  }
0x231: {  	vm4 =	vgt.s32 v4, $0x0;
	vm5 =	vgt.s32 v5, $0x0;
	vm6 =	vgt.s32 v6, $0x0  }
0x232: {  	vm7 =	vgt.s32 v7, $0x0;
	vm8 =	vgt.s32 v8, $0x0;
	vm9 =	vgt.s32 v9, $0x0  }
0x233: {  	vm10 =	vgt.s32 v10, $0x0;
	vm11 =	vgt.s32 v11, $0x0;
	vm13 =	vgt.s32 v13, $0x0  }
0x234: {  	vm14 =	vgt.s32 v14, $0x0;
	v0 =	vnsel vm0, $0x0, v0;
	vm0 =	vgt.s32 v1, $0x0  }
0x235: {  	v15 =	vnsel vm1, $0x0, v15;
	v2 =	vnsel vm2, $0x0, v2;
	v0 =	vmin.u32 v0, $0x3F  }
0x236: {  	v3 =	vnsel vm3, $0x0, v3;
	v4 =	vnsel vm4, $0x0, v4;
	v15 =	vmin.u32 v15, $0x3F  }
0x237: {  	v5 =	vnsel vm5, $0x0, v5;
	v6 =	vnsel vm6, $0x0, v6;
	v2 =	vmin.u32 v2, $0x3F  }
0x238: {  	v30 =	vld [tilespmem:s11+$0x60];
	v7 =	vnsel vm7, $0x0, v7;
	v8 =	vnsel vm8, $0x0, v8;
	v3 =	vmin.u32 v3, $0x3F  }
0x239: {  	v31 =	vld [tilespmem:s11+$0xFFFFFF80];
	v9 =	vnsel vm9, $0x0, v9;
	v10 =	vnsel vm10, $0x0, v10;
	v4 =	vmin.u32 v4, $0x3F  }
0x23a: {  	v1 =	vnsel vm0, $0x0, v1;
	vm0 =	vgt.s32 v16, $0x0;
	v7 =	vmin.u32 v7, $0x3F;
	v0 =	vld.idx.msk [tilespmem:v0+s18+$0x0], $0xffff  }
0x23b: {  	v11 =	vnsel vm11, $0x0, v11;
	v1 =	vmin.u32 v1, $0x3F;
	v16 =	vnsel vm0, $0x0, v16;
	v15 =	vld.idx.msk [tilespmem:v15+s18+$0x0], $0xffff  }
0x23c: {  	v13 =	vnsel vm13, $0x0, v13;
	v14 =	vnsel vm14, $0x0, v14;
	v16 =	vmin.u32 v16, $0x3F;
	v2 =	vld.idx.msk [tilespmem:v2+s18+$0x0], $0xffff  }
0x23d: {  	v5 =	vmin.u32 v5, $0x3F;
	v32 =	vmin.u32 v9, $0x3F;
	v9 =	vmul.f32 $6.400000000e+01, v30;
	v63 =	vld.idx.msk [tilespmem:v3+s18+$0x0], $0xffff  }
0x23e: {  	v6 =	vmin.u32 v6, $0x3F;
	v62 =	vmin.u32 v10, $0x3F;
	v10 =	vmul.f32 $6.400000000e+01, v31;
	v4 =	vld.idx.msk [tilespmem:v4+s18+$0x0], $0xffff  }
0x23f: {  	s9 =	simm.s32 $0xC180;
	v8 =	vmin.u32 v8, $0x3F;
	v34 =	vtrunc.f32 v9;
	v9 =	vcvt.f32.s32 v19;
	v19 =	vld.idx.msk [tilespmem:v7+s18+$0x0], $0xffff  }
0x240: {  	v33 =	vmin.u32 v11, $0x3F;
	v37 =	vmin.u32 v14, $0x3F;
	v14 =	vcvt.f32.s32 v21;
	v1 =	vld.idx.msk [tilespmem:v1+s18+$0x0], $0xffff;
	[tilespmem:s9+$0x70] =	vst v0  }
0x241: {  	v36 =	vmin.u32 v13, $0x3F;
	v13 =	vcvt.f32.s32 v23;
	v11 =	vcvt.f32.s32 v25;
	v16 =	vld.idx.msk [tilespmem:v16+s18+$0x0], $0xffff;
	[tilespmem:s9+$0xFFFFFF80] =	vst v15  }
0x242: {  	vm12 =	vgt.s32 v12, $0x0;
	v3 =	vtrunc.f32 v10;
	v0 =	vcvt.f32.s32 v17;
	v17 =	vld.idx.msk [tilespmem:v5+s18+$0x0], $0xffff;
	[tilespmem:s9+$0xFFFFFFA0] =	vst v2  }
0x243: {  	v12 =	vnsel vm12, $0x0, v12;
	v5 =	vcvt.f32.s32 v3;
	v3 =	vcvt.f32.s32 v18;
	v18 =	vld.idx.msk [tilespmem:v6+s18+$0x0], $0xffff;
	[tilespmem:s9+$0xFFFFFFB0] =	vst v63  }
0x244: {  	v35 =	vmin.u32 v12, $0x3F;
	v12 =	vcvt.f32.s32 v27;
	v6 =	vcvt.f32.s32 v20;
	v20 =	vld.idx.msk [tilespmem:v8+s18+$0x0], $0xffff;
	[tilespmem:s9+$0xFFFFFFC0] =	vst v4  }
0x245: {  	vm9 =	vgt.s32 v14, $0x0;
	vm10 =	vgt.s32 v13, $0x0;
	v7 =	vcvt.f32.s32 v22;
	v15 =	vld.idx.msk [tilespmem:v32+s18+$0x0], $0xffff;
	[tilespmem:s9+$0xFFFFFFF0] =	vst v19  }
0x246: {  	s8 =	simm.s32 $0xC280;
	vm8 =	vgt.s32 v11, $0x0;
	vm4 =	vgt.s32 v12, $0x0;
	v10 =	vcvt.f32.s32 v24;
	v19 =	vld.idx.msk [tilespmem:v36+s18+$0x0], $0xffff;
	[tilespmem:s9+$0xFFFFFF90] =	vst v1  }
0x247: {  	vm3 =	vgt.s32 v9, $0x0;
	vm11 =	vgt.s32 v7, $0x0;
	v8 =	vcvt.f32.s32 v26;
	[tilespmem:s8+$0x70] =	vst v16;
	v16 =	vld.idx.msk [tilespmem:v62+s18+$0x0], $0xffff  }
0x248: {  	vm7 =	vgt.s32 v10, $0x0;
	v2 =	vcvt.f32.s32 v28;
	v4 =	vcvt.f32.s32 v29;
	[tilespmem:s9+$0xFFFFFFD0] =	vst v17;
	v17 =	vld.idx.msk [tilespmem:v33+s18+$0x0], $0xffff  }
0x249: {  	v1 =	vcvt.f32.s32 v34;
	vm0 =	vgt.s32 v0, $0x0;
	vm1 =	vgt.s32 v5, $0x0;
	[tilespmem:s9+$0xFFFFFFE0] =	vst v18;
	v18 =	vld.idx.msk [tilespmem:v35+s18+$0x0], $0xffff  }
0x24a: {  	s10 =	simm.s32 $0x10;
	s11 =	simm.s32 $0x4380;
	vm2 =	vgt.s32 v3, $0x0;
	vm5 =	vgt.s32 v6, $0x0;
	vm6 =	vgt.s32 v8, $0x0;
	[tilespmem:s9+$0x0] =	vst v20;
	v20 =	vld.idx.msk [tilespmem:v37+s18+$0x0], $0xffff  }
.LBB2_15:
0x24b: {  	v21 =	vld [tilespmem:s11+$0x70];
	s10 =	sadd.s32 $0x10, s10;
	vm13 =	vgt.s32 v2, $0x0;
	vm14 =	vgt.s32 v4, $0x0;
	vm12 =	vgt.s32 v1, $0x0;
	[tilespmem:s9+$0x10] =	vst v15  }
0x24c: {  	v5 =	vnsel vm1, $0x0, v5;
	v0 =	vnsel vm0, $0x0, v0;
	v3 =	vnsel vm2, $0x0, v3;
	v15 =	vld [tilespmem:s11+$0xFFFFFF90];
	p2 =	slt.u32 s10, $0x1F0;
	[tilespmem:s9+$0x20] =	vst v16  }
0x24d: {  	v9 =	vnsel vm3, $0x0, v9;
	v6 =	vnsel vm5, $0x0, v6;
	v14 =	vnsel vm9, $0x0, v14;
	v16 =	vld [tilespmem:s11+$0xFFFFFFA0];
	[tilespmem:s9+$0x30] =	vst v17  }
0x24e: {  	v7 =	vnsel vm11, $0x0, v7;
	v13 =	vnsel vm10, $0x0, v13;
	v10 =	vnsel vm7, $0x0, v10;
	v17 =	vld [tilespmem:s11+$0xFFFFFFB0];
	[tilespmem:s9+$0x40] =	vst v18  }
0x24f: {  	v11 =	vnsel vm8, $0x0, v11;
	v8 =	vnsel vm6, $0x0, v8;
	v12 =	vnsel vm4, $0x0, v12;
	v18 =	vld [tilespmem:s11+$0xFFFFFFC0];
	[tilespmem:s9+$0x50] =	vst v19  }
0x250: {  	v2 =	vnsel vm13, $0x0, v2;
	v4 =	vnsel vm14, $0x0, v4;
	v19 =	vld [tilespmem:s11+$0xFFFFFFD0];
	v21 =	vmul.f32 $6.400000000e+01, v21;
	[tilespmem:s9+$0x60] =	vst v20;
	s9 =	smov.u32 s8  }
0x251: {  	v5 =	vmin.u32 v5, $0x3F;
	v1 =	vnsel vm12, $0x0, v1;
	v15 =	vmul.f32 $6.400000000e+01, v15;
	v20 =	vld [tilespmem:s11+$0xFFFFFFE0]  }
0x252: {  	v0 =	vmin.u32 v0, $0x3F;
	v16 =	vmul.f32 $6.400000000e+01, v16;
	v22 =	vld [tilespmem:s11+$0xFFFFFFF0];
	v21 =	vtrunc.f32 v21  }
0x253: {  	v3 =	vmin.u32 v3, $0x3F;
	v17 =	vmul.f32 $6.400000000e+01, v17;
	v23 =	vld [tilespmem:s11+$0x0];
	v21 =	vcvt.f32.s32 v21  }
0x254: {  	v9 =	vmin.u32 v9, $0x3F;
	v15 =	vtrunc.f32 v15;
	v18 =	vmul.f32 $6.400000000e+01, v18;
	v24 =	vld [tilespmem:s11+$0x10]  }
0x255: {  	v16 =	vtrunc.f32 v16;
	v19 =	vmul.f32 $6.400000000e+01, v19;
	v25 =	vld [tilespmem:s11+$0x20];
	vm0 =	vgt.s32 v21, $0x0  }
0x256: {  	v17 =	vtrunc.f32 v17;
	v20 =	vmul.f32 $6.400000000e+01, v20;
	v26 =	vld [tilespmem:s11+$0x30];
	v21 =	vnsel vm0, $0x0, v21  }
0x257: {  	v18 =	vtrunc.f32 v18;
	v22 =	vmul.f32 $6.400000000e+01, v22;
	v27 =	vld [tilespmem:s11+$0x40];
	v21 =	vmin.u32 v21, $0x3F  }
0x258: {  	v6 =	vmin.u32 v6, $0x3F;
	v19 =	vtrunc.f32 v19;
	v23 =	vmul.f32 $6.400000000e+01, v23;
	v28 =	vld [tilespmem:s11+$0x50]  }
0x259: {  	v14 =	vmin.u32 v14, $0x3F;
	v20 =	vtrunc.f32 v20;
	v24 =	vmul.f32 $6.400000000e+01, v24;
	v29 =	vld [tilespmem:s11+$0x60]  }
0x25a: {  	v7 =	vmin.u32 v7, $0x3F;
	v22 =	vtrunc.f32 v22;
	v30 =	vld [tilespmem:s11+$0xFFFFFF80];
	v25 =	vmul.f32 $6.400000000e+01, v25  }
0x25b: {  	v13 =	vmin.u32 v13, $0x3F;
	v23 =	vtrunc.f32 v23;
	v26 =	vmul.f32 $6.400000000e+01, v26;
	v5 =	vld.idx.msk [tilespmem:v5+s18+$0x0], $0xffff  }
0x25c: {  	v10 =	vmin.u32 v10, $0x3F;
	v24 =	vtrunc.f32 v24;
	v27 =	vmul.f32 $6.400000000e+01, v27;
	v21 =	vld.idx.msk [tilespmem:v21+s18+$0x0], $0xffff  }
0x25d: {  	v11 =	vmin.u32 v11, $0x3F;
	v25 =	vtrunc.f32 v25;
	v28 =	vmul.f32 $6.400000000e+01, v28;
	v31 =	vld.idx.msk [tilespmem:v0+s18+$0x0], $0xffff  }
0x25e: {  	v32 =	vmin.u32 v8, $0x3F;
	v26 =	vtrunc.f32 v26;
	v0 =	vmul.f32 $6.400000000e+01, v29;
	v29 =	vld.idx.msk [tilespmem:v3+s18+$0x0], $0xffff  }
0x25f: {  	v27 =	vtrunc.f32 v27;
	v3 =	vmul.f32 $6.400000000e+01, v30;
	v8 =	vld.idx.msk [tilespmem:v9+s18+$0x0], $0xffff;
	v30 =	vmin.u32 v12, $0x3F  }
0x260: {  	v34 =	vmin.u32 v2, $0x3F;
	v28 =	vtrunc.f32 v28;
	v33 =	vtrunc.f32 v0;
	v12 =	vld.idx.msk [tilespmem:v6+s18+$0x0], $0xffff  }
0x261: {  	v36 =	vmin.u32 v4, $0x3F;
	s8 =	sadd.s32 $0x100, s8;
	v0 =	vcvt.f32.s32 v15;
	v2 =	vtrunc.f32 v3;
	[tilespmem:s9+$0xFFFFFF80] =	vst v5;
	v35 =	vld.idx.msk [tilespmem:v14+s18+$0x0], $0xffff  }
0x262: {  	v37 =	vmin.u32 v1, $0x3F;
	v3 =	vcvt.f32.s32 v16;
	v5 =	vcvt.f32.s32 v2;
	[tilespmem:s8+$0x70] =	vst v21;
	v21 =	vld.idx.msk [tilespmem:v7+s18+$0x0], $0xffff  }
0x263: {  	v9 =	vcvt.f32.s32 v17;
	v6 =	vcvt.f32.s32 v18;
	vm0 =	vgt.s32 v0, $0x0;
	[tilespmem:s9+$0xFFFFFF90] =	vst v31;
	v31 =	vld.idx.msk [tilespmem:v13+s18+$0x0], $0xffff  }
0x264: {  	v14 =	vcvt.f32.s32 v19;
	v7 =	vcvt.f32.s32 v20;
	vm1 =	vgt.s32 v5, $0x0;
	[tilespmem:s9+$0xFFFFFFA0] =	vst v29;
	v20 =	vld.idx.msk [tilespmem:v10+s18+$0x0], $0xffff  }
0x265: {  	vm2 =	vgt.s32 v3, $0x0;
	v13 =	vcvt.f32.s32 v22;
	v10 =	vcvt.f32.s32 v23;
	[tilespmem:s9+$0xFFFFFFB0] =	vst v8;
	v15 =	vld.idx.msk [tilespmem:v11+s18+$0x0], $0xffff  }
.Ltmp10:
0x266: {  	vm3 =	vgt.s32 v9, $0x0;
	v11 =	vcvt.f32.s32 v24;
	v8 =	vcvt.f32.s32 v25;
	[tilespmem:s9+$0xFFFFFFC0] =	vst v12;
	v16 =	vld.idx.msk [tilespmem:v32+s18+$0x0], $0xffff;
	(pc) =	sbr.rel @p2 .LBB2_15-.Ltmp10, $4  }
0x267: {  	vm5 =	vgt.s32 v6, $0x0;
	v2 =	vcvt.f32.s32 v27;
	v12 =	vcvt.f32.s32 v26;
	[tilespmem:s9+$0xFFFFFFD0] =	vst v35;
	v17 =	vld.idx.msk [tilespmem:v30+s18+$0x0], $0xffff  }
0x268: {  	v4 =	vcvt.f32.s32 v28;
	v1 =	vcvt.f32.s32 v33;
	vm9 =	vgt.s32 v14, $0x0;
	[tilespmem:s9+$0xFFFFFFE0] =	vst v21;
	v18 =	vld.idx.msk [tilespmem:v34+s18+$0x0], $0xffff  }
0x269: {  	vm11 =	vgt.s32 v7, $0x0;
	vm10 =	vgt.s32 v13, $0x0;
	vm7 =	vgt.s32 v10, $0x0;
	[tilespmem:s9+$0xFFFFFFF0] =	vst v31;
	v19 =	vld.idx.msk [tilespmem:v36+s18+$0x0], $0xffff  }
0x26a: {  	s11 =	sadd.s32 $0x100, s11;
	vm8 =	vgt.s32 v11, $0x0;
	vm6 =	vgt.s32 v8, $0x0;
	vm4 =	vgt.s32 v12, $0x0;
	[tilespmem:s9+$0x0] =	vst v20;
	v20 =	vld.idx.msk [tilespmem:v37+s18+$0x0], $0xffff  }
0x26b: {  	v5 =	vnsel vm1, $0x0, v5  }
0x26c: {  	v0 =	vnsel vm0, $0x0, v0;
	v5 =	vmin.u32 v5, $0x3F  }
0x26d: {  	v3 =	vnsel vm2, $0x0, v3;
	v0 =	vmin.u32 v0, $0x3F  }
0x26e: {  	v9 =	vnsel vm3, $0x0, v9;
	v3 =	vmin.u32 v3, $0x3F  }
0x26f: {  	v6 =	vnsel vm5, $0x0, v6;
	v9 =	vmin.u32 v9, $0x3F  }
0x270: {  	[tilespmem:s9+$0x10] =	vst v15;
	v14 =	vnsel vm9, $0x0, v14;
	v6 =	vmin.u32 v6, $0x3F  }
0x271: {  	[tilespmem:s9+$0x20] =	vst v16;
	v7 =	vnsel vm11, $0x0, v7;
	v14 =	vmin.u32 v14, $0x3F;
	v5 =	vld.idx.msk [tilespmem:v5+s18+$0x0], $0xffff  }
0x272: {  	v13 =	vnsel vm10, $0x0, v13;
	[tilespmem:s9+$0x30] =	vst v17;
	v7 =	vmin.u32 v7, $0x3F;
	v0 =	vld.idx.msk [tilespmem:v0+s18+$0x0], $0xffff  }
0x273: {  	v10 =	vnsel vm7, $0x0, v10;
	v13 =	vmin.u32 v13, $0x3F;
	[tilespmem:s9+$0x40] =	vst v18;
	v3 =	vld.idx.msk [tilespmem:v3+s18+$0x0], $0xffff  }
0x274: {  	v11 =	vnsel vm8, $0x0, v11;
	v10 =	vmin.u32 v10, $0x3F;
	[tilespmem:s9+$0x50] =	vst v19;
	v9 =	vld.idx.msk [tilespmem:v9+s18+$0x0], $0xffff  }
0x275: {  	v8 =	vnsel vm6, $0x0, v8;
	v11 =	vmin.u32 v11, $0x3F;
	[tilespmem:s9+$0x60] =	vst v20;
	v6 =	vld.idx.msk [tilespmem:v6+s18+$0x0], $0xffff  }
0x276: {  	vm13 =	vgt.s32 v2, $0x0;
	v12 =	vnsel vm4, $0x0, v12;
	v8 =	vmin.u32 v8, $0x3F;
	v57 =	vld.idx.msk [tilespmem:v14+s18+$0x0], $0xffff;
	[tilespmem:s8+$0xFFFFFF80] =	vst v5  }
0x277: {  	vm15 =	vgt.s32 v1, $0x0;
	v2 =	vnsel vm13, $0x0, v2;
	v12 =	vmin.u32 v12, $0x3F;
	v7 =	vld.idx.msk [tilespmem:v7+s18+$0x0], $0xffff;
	[tilespmem:s8+$0xFFFFFF90] =	vst v0  }
0x278: {  	vm14 =	vgt.s32 v4, $0x0;
	v1 =	vnsel vm15, $0x0, v1;
	v2 =	vmin.u32 v2, $0x3F;
	v59 =	vld.idx.msk [tilespmem:v13+s18+$0x0], $0xffff;
	[tilespmem:s8+$0xFFFFFFA0] =	vst v3  }
0x279: {  	v58 =	vnsel vm14, $0x0, v4;
	v1 =	vmin.u32 v1, $0x3F;
	v60 =	vld.idx.msk [tilespmem:v10+s18+$0x0], $0xffff;
	[tilespmem:s8+$0xFFFFFFB0] =	vst v9  }
0x27a: {  	v61 =	vld.idx.msk [tilespmem:v11+s18+$0x0], $0xffff;
	v0 =	vmin.u32 v58, $0x3F;
	[tilespmem:s8+$0xFFFFFFC0] =	vst v6  }
0x27b: {  	v62 =	vld.idx.msk [tilespmem:v8+s18+$0x0], $0xffff;
	[tilespmem:s8+$0xFFFFFFD0] =	vst v57  }
0x27c: {  	v63 =	vld.idx.msk [tilespmem:v12+s18+$0x0], $0xffff;
	[tilespmem:s8+$0xFFFFFFE0] =	vst v7  }
0x27d: {  	v2 =	vld.idx.msk [tilespmem:v2+s18+$0x0], $0xffff;
	[tilespmem:s8+$0xFFFFFFF0] =	vst v59  }
0x27e: {  	v1 =	vld.idx.msk [tilespmem:v1+s18+$0x0], $0xffff;
	[tilespmem:s8+$0x0] =	vst v60  }
0x27f: {  	[tilespmem:s8+$0x10] =	vst v61;
	v0 =	vld.idx.msk [tilespmem:v0+s18+$0x0], $0xffff  }
0x280: {  	[tilespmem:s8+$0x20] =	vst v62  }
.Ltmp11:
0x281: {  	[tilespmem:s8+$0x30] =	vst v63;
	(pc) =	sbr.rel @p1 .LBB2_18-.Ltmp11, $4  }
0x282: {  	[tilespmem:s8+$0x40] =	vst v2  }
0x283: {  	[tilespmem:s8+$0x60] =	vst v1  }
0x284: {  	s11 =	sadd.s32 $0x800, s3;
	[tilespmem:s8+$0x50] =	vst v0  }
0x285: {  	[hbm4b:s11+s5] =	stream.linear.scatter [tilespmem:s25], [sflag:$0x7], $0x2000, $0x38;
	[tilespmem:$0x10100] =	vst v63  }
.Ltmp12:
0x286: {  	(pc) =	sbr.rel .LBB2_19-.Ltmp12, $4  }
0x287: {  	_ = 	snop  }
0x288: {  	_ =	swait.ge [sflag:s26], $0x2000  }
0x289: {  	[sflag:s26] =	ssyncset.done $0x0  }
0x28a: {  	[sflag:s26] =	ssyncadd.s32 $0xFFFFE000  }
.LBB2_18:
0x28b: {  	s8 =	sadd.s32 s1, s0  }
.Ltmp13:
0x28c: {  	s8 =	sadd.s32 $0x1800, s8;
	(pc) =	sbr.rel @p0 .LBB2_20-.Ltmp13, $4  }
0x28d: {  	[tilespmem:s14], [sflag:$0x3] =	stream.linear.gather [hbm4b:s8+s5], $0x2000, $0x38;
	[tilespmem:$0x10100] =	vst v63  }
0x28e: {  	_ =	swait.ge [sflag:s26], $0x2000  }
0x28f: {  	[sflag:s26] =	ssyncset.done $0x0  }
0x290: {  	[sflag:s26] =	ssyncadd.s32 $0xFFFFE000  }
.LBB2_19:
0x291: {  	_ =	swait.ge [sflag:s28], $0x2000  }
0x292: {  	[sflag:s28] =	ssyncset.done $0x0  }
0x293: {  	[sflag:s28] =	ssyncadd.s32 $0xFFFFE000  }
.LBB2_20:
0x294: {  	s8 =	simm.s32 $0x6180  }
0x295: {  	v0 =	vld [tilespmem:s8+$0x70]  }
0x296: {  	v1 =	vld [tilespmem:s8+$0xFFFFFF90]  }
0x297: {  	v2 =	vld [tilespmem:s8+$0xFFFFFFA0]  }
0x298: {  	v3 =	vld [tilespmem:s8+$0xFFFFFFB0]  }
0x299: {  	v4 =	vld [tilespmem:s8+$0xFFFFFFC0]  }
0x29a: {  	v5 =	vld [tilespmem:s8+$0xFFFFFFD0]  }
0x29b: {  	v6 =	vld [tilespmem:s8+$0xFFFFFFE0]  }
0x29c: {  	v7 =	vld [tilespmem:s8+$0xFFFFFFF0]  }
0x29d: {  	v8 =	vld [tilespmem:s8+$0x0]  }
0x29e: {  	v9 =	vld [tilespmem:s8+$0x10]  }
0x29f: {  	v10 =	vld [tilespmem:s8+$0x20]  }
0x2a0: {  	v11 =	vld [tilespmem:s8+$0x30]  }
0x2a1: {  	v12 =	vld [tilespmem:s8+$0x40]  }
0x2a2: {  	v13 =	vld [tilespmem:s8+$0x50]  }
0x2a3: {  	v14 =	vld [tilespmem:s8+$0x60]  }
0x2a4: {  	s11 =	simm.s32 $0x6280;
	v15 =	vld [tilespmem:s8+$0xFFFFFF80]  }
0x2a5: {  	v16 =	vld [tilespmem:s11+$0x70]  }
0x2a6: {  	v17 =	vld [tilespmem:s11+$0xFFFFFF90]  }
0x2a7: {  	v18 =	vld [tilespmem:s11+$0xFFFFFFA0]  }
0x2a8: {  	v19 =	vld [tilespmem:s11+$0xFFFFFFB0];
	v0 =	vmul.f32 $6.400000000e+01, v0  }
0x2a9: {  	v20 =	vld [tilespmem:s11+$0xFFFFFFC0];
	v1 =	vmul.f32 $6.400000000e+01, v1;
	v2 =	vmul.f32 $6.400000000e+01, v2  }
0x2aa: {  	v21 =	vld [tilespmem:s11+$0xFFFFFFD0];
	v3 =	vmul.f32 $6.400000000e+01, v3;
	v4 =	vmul.f32 $6.400000000e+01, v4  }
0x2ab: {  	v22 =	vld [tilespmem:s11+$0xFFFFFFE0];
	v5 =	vmul.f32 $6.400000000e+01, v5;
	v6 =	vmul.f32 $6.400000000e+01, v6  }
0x2ac: {  	v23 =	vld [tilespmem:s11+$0xFFFFFFF0];
	v7 =	vmul.f32 $6.400000000e+01, v7;
	v8 =	vmul.f32 $6.400000000e+01, v8  }
0x2ad: {  	v24 =	vld [tilespmem:s11+$0x0];
	v9 =	vmul.f32 $6.400000000e+01, v9;
	v10 =	vmul.f32 $6.400000000e+01, v10  }
0x2ae: {  	v25 =	vld [tilespmem:s11+$0x10];
	v11 =	vmul.f32 $6.400000000e+01, v11;
	v12 =	vmul.f32 $6.400000000e+01, v12  }
0x2af: {  	v26 =	vld [tilespmem:s11+$0x20];
	v13 =	vmul.f32 $6.400000000e+01, v13;
	v14 =	vmul.f32 $6.400000000e+01, v14  }
0x2b0: {  	v27 =	vld [tilespmem:s11+$0x30];
	v15 =	vmul.f32 $6.400000000e+01, v15;
	v16 =	vmul.f32 $6.400000000e+01, v16  }
0x2b1: {  	v28 =	vld [tilespmem:s11+$0x40];
	v17 =	vmul.f32 $6.400000000e+01, v17;
	v18 =	vmul.f32 $6.400000000e+01, v18  }
0x2b2: {  	v29 =	vld [tilespmem:s11+$0x50];
	v19 =	vmul.f32 $6.400000000e+01, v19;
	v20 =	vmul.f32 $6.400000000e+01, v20  }
0x2b3: {  	v21 =	vmul.f32 $6.400000000e+01, v21;
	v22 =	vmul.f32 $6.400000000e+01, v22  }
0x2b4: {  	v23 =	vmul.f32 $6.400000000e+01, v23;
	v24 =	vmul.f32 $6.400000000e+01, v24  }
0x2b5: {  	v25 =	vmul.f32 $6.400000000e+01, v25;
	v26 =	vmul.f32 $6.400000000e+01, v26  }
0x2b6: {  	v27 =	vmul.f32 $6.400000000e+01, v27;
	v28 =	vmul.f32 $6.400000000e+01, v28  }
0x2b7: {  	v29 =	vmul.f32 $6.400000000e+01, v29;
	v0 =	vtrunc.f32 v0  }
0x2b8: {  	v1 =	vtrunc.f32 v1;
	v2 =	vtrunc.f32 v2  }
0x2b9: {  	v3 =	vtrunc.f32 v3;
	v4 =	vtrunc.f32 v4  }
0x2ba: {  	v5 =	vtrunc.f32 v5;
	v6 =	vtrunc.f32 v6  }
0x2bb: {  	v7 =	vtrunc.f32 v7;
	v8 =	vtrunc.f32 v8  }
0x2bc: {  	v9 =	vtrunc.f32 v9;
	v10 =	vtrunc.f32 v10  }
0x2bd: {  	v11 =	vtrunc.f32 v11;
	v12 =	vtrunc.f32 v12  }
0x2be: {  	v13 =	vtrunc.f32 v13;
	v14 =	vtrunc.f32 v14  }
0x2bf: {  	v15 =	vtrunc.f32 v15;
	v16 =	vtrunc.f32 v16  }
0x2c0: {  	v17 =	vtrunc.f32 v17;
	v18 =	vtrunc.f32 v18  }
0x2c1: {  	v19 =	vtrunc.f32 v19;
	v20 =	vtrunc.f32 v20  }
0x2c2: {  	v21 =	vtrunc.f32 v21;
	v22 =	vtrunc.f32 v22  }
0x2c3: {  	v23 =	vtrunc.f32 v23;
	v24 =	vtrunc.f32 v24  }
0x2c4: {  	v25 =	vtrunc.f32 v25;
	v26 =	vtrunc.f32 v26  }
0x2c5: {  	v27 =	vtrunc.f32 v27;
	v28 =	vtrunc.f32 v28  }
0x2c6: {  	v29 =	vtrunc.f32 v29;
	v0 =	vcvt.f32.s32 v0  }
0x2c7: {  	v1 =	vcvt.f32.s32 v1;
	v15 =	vcvt.f32.s32 v15  }
0x2c8: {  	v2 =	vcvt.f32.s32 v2;
	v3 =	vcvt.f32.s32 v3  }
0x2c9: {  	v4 =	vcvt.f32.s32 v4;
	v5 =	vcvt.f32.s32 v5  }
0x2ca: {  	v6 =	vcvt.f32.s32 v6;
	v7 =	vcvt.f32.s32 v7  }
0x2cb: {  	v8 =	vcvt.f32.s32 v8;
	v9 =	vcvt.f32.s32 v9  }
0x2cc: {  	v10 =	vcvt.f32.s32 v10;
	v11 =	vcvt.f32.s32 v11  }
0x2cd: {  	v12 =	vcvt.f32.s32 v12;
	v13 =	vcvt.f32.s32 v13  }
0x2ce: {  	v14 =	vcvt.f32.s32 v14;
	v16 =	vcvt.f32.s32 v16;
	vm0 =	vgt.s32 v0, $0x0  }
0x2cf: {  	vm1 =	vgt.s32 v15, $0x0;
	vm2 =	vgt.s32 v2, $0x0;
	vm3 =	vgt.s32 v3, $0x0  }
0x2d0: {  	vm4 =	vgt.s32 v4, $0x0;
	vm5 =	vgt.s32 v5, $0x0;
	vm6 =	vgt.s32 v6, $0x0  }
0x2d1: {  	vm7 =	vgt.s32 v7, $0x0;
	vm8 =	vgt.s32 v8, $0x0;
	vm9 =	vgt.s32 v9, $0x0  }
0x2d2: {  	vm10 =	vgt.s32 v10, $0x0;
	vm11 =	vgt.s32 v11, $0x0;
	vm13 =	vgt.s32 v13, $0x0  }
0x2d3: {  	vm14 =	vgt.s32 v14, $0x0;
	v0 =	vnsel vm0, $0x0, v0;
	vm0 =	vgt.s32 v1, $0x0  }
0x2d4: {  	v15 =	vnsel vm1, $0x0, v15;
	v2 =	vnsel vm2, $0x0, v2;
	v0 =	vmin.u32 v0, $0x3F  }
0x2d5: {  	v3 =	vnsel vm3, $0x0, v3;
	v4 =	vnsel vm4, $0x0, v4;
	v15 =	vmin.u32 v15, $0x3F  }
0x2d6: {  	v5 =	vnsel vm5, $0x0, v5;
	v6 =	vnsel vm6, $0x0, v6;
	v2 =	vmin.u32 v2, $0x3F  }
0x2d7: {  	v30 =	vld [tilespmem:s11+$0x60];
	v7 =	vnsel vm7, $0x0, v7;
	v8 =	vnsel vm8, $0x0, v8;
	v3 =	vmin.u32 v3, $0x3F  }
0x2d8: {  	v31 =	vld [tilespmem:s11+$0xFFFFFF80];
	v9 =	vnsel vm9, $0x0, v9;
	v10 =	vnsel vm10, $0x0, v10;
	v4 =	vmin.u32 v4, $0x3F  }
0x2d9: {  	v1 =	vnsel vm0, $0x0, v1;
	vm0 =	vgt.s32 v16, $0x0;
	v7 =	vmin.u32 v7, $0x3F;
	v0 =	vld.idx.msk [tilespmem:v0+s18+$0x0], $0xffff  }
0x2da: {  	v11 =	vnsel vm11, $0x0, v11;
	v1 =	vmin.u32 v1, $0x3F;
	v16 =	vnsel vm0, $0x0, v16;
	v15 =	vld.idx.msk [tilespmem:v15+s18+$0x0], $0xffff  }
0x2db: {  	v13 =	vnsel vm13, $0x0, v13;
	v14 =	vnsel vm14, $0x0, v14;
	v16 =	vmin.u32 v16, $0x3F;
	v2 =	vld.idx.msk [tilespmem:v2+s18+$0x0], $0xffff  }
0x2dc: {  	v5 =	vmin.u32 v5, $0x3F;
	v32 =	vmin.u32 v9, $0x3F;
	v9 =	vmul.f32 $6.400000000e+01, v30;
	v63 =	vld.idx.msk [tilespmem:v3+s18+$0x0], $0xffff  }
0x2dd: {  	v6 =	vmin.u32 v6, $0x3F;
	v62 =	vmin.u32 v10, $0x3F;
	v10 =	vmul.f32 $6.400000000e+01, v31;
	v4 =	vld.idx.msk [tilespmem:v4+s18+$0x0], $0xffff  }
0x2de: {  	s9 =	simm.s32 $0xE180;
	v8 =	vmin.u32 v8, $0x3F;
	v34 =	vtrunc.f32 v9;
	v9 =	vcvt.f32.s32 v19;
	v19 =	vld.idx.msk [tilespmem:v7+s18+$0x0], $0xffff  }
0x2df: {  	v33 =	vmin.u32 v11, $0x3F;
	v37 =	vmin.u32 v14, $0x3F;
	v14 =	vcvt.f32.s32 v21;
	v1 =	vld.idx.msk [tilespmem:v1+s18+$0x0], $0xffff;
	[tilespmem:s9+$0x70] =	vst v0  }
0x2e0: {  	v36 =	vmin.u32 v13, $0x3F;
	v13 =	vcvt.f32.s32 v23;
	v11 =	vcvt.f32.s32 v25;
	v16 =	vld.idx.msk [tilespmem:v16+s18+$0x0], $0xffff;
	[tilespmem:s9+$0xFFFFFF80] =	vst v15  }
0x2e1: {  	vm12 =	vgt.s32 v12, $0x0;
	v3 =	vtrunc.f32 v10;
	v0 =	vcvt.f32.s32 v17;
	v17 =	vld.idx.msk [tilespmem:v5+s18+$0x0], $0xffff;
	[tilespmem:s9+$0xFFFFFFA0] =	vst v2  }
0x2e2: {  	v12 =	vnsel vm12, $0x0, v12;
	v5 =	vcvt.f32.s32 v3;
	v3 =	vcvt.f32.s32 v18;
	v18 =	vld.idx.msk [tilespmem:v6+s18+$0x0], $0xffff;
	[tilespmem:s9+$0xFFFFFFB0] =	vst v63  }
0x2e3: {  	v35 =	vmin.u32 v12, $0x3F;
	v12 =	vcvt.f32.s32 v27;
	v6 =	vcvt.f32.s32 v20;
	v20 =	vld.idx.msk [tilespmem:v8+s18+$0x0], $0xffff;
	[tilespmem:s9+$0xFFFFFFC0] =	vst v4  }
0x2e4: {  	vm9 =	vgt.s32 v14, $0x0;
	vm10 =	vgt.s32 v13, $0x0;
	v7 =	vcvt.f32.s32 v22;
	v15 =	vld.idx.msk [tilespmem:v32+s18+$0x0], $0xffff;
	[tilespmem:s9+$0xFFFFFFF0] =	vst v19  }
0x2e5: {  	s8 =	simm.s32 $0xE280;
	vm8 =	vgt.s32 v11, $0x0;
	vm4 =	vgt.s32 v12, $0x0;
	v10 =	vcvt.f32.s32 v24;
	v19 =	vld.idx.msk [tilespmem:v36+s18+$0x0], $0xffff;
	[tilespmem:s9+$0xFFFFFF90] =	vst v1  }
0x2e6: {  	vm3 =	vgt.s32 v9, $0x0;
	vm11 =	vgt.s32 v7, $0x0;
	v8 =	vcvt.f32.s32 v26;
	[tilespmem:s8+$0x70] =	vst v16;
	v16 =	vld.idx.msk [tilespmem:v62+s18+$0x0], $0xffff  }
0x2e7: {  	vm7 =	vgt.s32 v10, $0x0;
	v2 =	vcvt.f32.s32 v28;
	v4 =	vcvt.f32.s32 v29;
	[tilespmem:s9+$0xFFFFFFD0] =	vst v17;
	v17 =	vld.idx.msk [tilespmem:v33+s18+$0x0], $0xffff  }
0x2e8: {  	v1 =	vcvt.f32.s32 v34;
	vm0 =	vgt.s32 v0, $0x0;
	vm1 =	vgt.s32 v5, $0x0;
	[tilespmem:s9+$0xFFFFFFE0] =	vst v18;
	v18 =	vld.idx.msk [tilespmem:v35+s18+$0x0], $0xffff  }
0x2e9: {  	s10 =	simm.s32 $0x10;
	s11 =	simm.s32 $0x6380;
	vm2 =	vgt.s32 v3, $0x0;
	vm5 =	vgt.s32 v6, $0x0;
	vm6 =	vgt.s32 v8, $0x0;
	[tilespmem:s9+$0x0] =	vst v20;
	v20 =	vld.idx.msk [tilespmem:v37+s18+$0x0], $0xffff  }
.LBB2_21:
0x2ea: {  	v21 =	vld [tilespmem:s11+$0x70];
	s10 =	sadd.s32 $0x10, s10;
	vm13 =	vgt.s32 v2, $0x0;
	vm14 =	vgt.s32 v4, $0x0;
	vm12 =	vgt.s32 v1, $0x0;
	[tilespmem:s9+$0x10] =	vst v15  }
0x2eb: {  	v5 =	vnsel vm1, $0x0, v5;
	v0 =	vnsel vm0, $0x0, v0;
	v3 =	vnsel vm2, $0x0, v3;
	v15 =	vld [tilespmem:s11+$0xFFFFFF90];
	p0 =	slt.u32 s10, $0x1F0;
	[tilespmem:s9+$0x20] =	vst v16  }
0x2ec: {  	v9 =	vnsel vm3, $0x0, v9;
	v6 =	vnsel vm5, $0x0, v6;
	v14 =	vnsel vm9, $0x0, v14;
	v16 =	vld [tilespmem:s11+$0xFFFFFFA0];
	[tilespmem:s9+$0x30] =	vst v17  }
0x2ed: {  	v7 =	vnsel vm11, $0x0, v7;
	v13 =	vnsel vm10, $0x0, v13;
	v10 =	vnsel vm7, $0x0, v10;
	v17 =	vld [tilespmem:s11+$0xFFFFFFB0];
	[tilespmem:s9+$0x40] =	vst v18  }
0x2ee: {  	v11 =	vnsel vm8, $0x0, v11;
	v8 =	vnsel vm6, $0x0, v8;
	v12 =	vnsel vm4, $0x0, v12;
	v18 =	vld [tilespmem:s11+$0xFFFFFFC0];
	[tilespmem:s9+$0x50] =	vst v19  }
0x2ef: {  	v2 =	vnsel vm13, $0x0, v2;
	v4 =	vnsel vm14, $0x0, v4;
	v19 =	vld [tilespmem:s11+$0xFFFFFFD0];
	v21 =	vmul.f32 $6.400000000e+01, v21;
	[tilespmem:s9+$0x60] =	vst v20;
	s9 =	smov.u32 s8  }
0x2f0: {  	v5 =	vmin.u32 v5, $0x3F;
	v1 =	vnsel vm12, $0x0, v1;
	v15 =	vmul.f32 $6.400000000e+01, v15;
	v20 =	vld [tilespmem:s11+$0xFFFFFFE0]  }
0x2f1: {  	v0 =	vmin.u32 v0, $0x3F;
	v16 =	vmul.f32 $6.400000000e+01, v16;
	v22 =	vld [tilespmem:s11+$0xFFFFFFF0];
	v21 =	vtrunc.f32 v21  }
0x2f2: {  	v3 =	vmin.u32 v3, $0x3F;
	v17 =	vmul.f32 $6.400000000e+01, v17;
	v23 =	vld [tilespmem:s11+$0x0];
	v21 =	vcvt.f32.s32 v21  }
0x2f3: {  	v9 =	vmin.u32 v9, $0x3F;
	v15 =	vtrunc.f32 v15;
	v18 =	vmul.f32 $6.400000000e+01, v18;
	v24 =	vld [tilespmem:s11+$0x10]  }
0x2f4: {  	v16 =	vtrunc.f32 v16;
	v19 =	vmul.f32 $6.400000000e+01, v19;
	v25 =	vld [tilespmem:s11+$0x20];
	vm0 =	vgt.s32 v21, $0x0  }
0x2f5: {  	v17 =	vtrunc.f32 v17;
	v20 =	vmul.f32 $6.400000000e+01, v20;
	v26 =	vld [tilespmem:s11+$0x30];
	v21 =	vnsel vm0, $0x0, v21  }
0x2f6: {  	v18 =	vtrunc.f32 v18;
	v22 =	vmul.f32 $6.400000000e+01, v22;
	v27 =	vld [tilespmem:s11+$0x40];
	v21 =	vmin.u32 v21, $0x3F  }
0x2f7: {  	v6 =	vmin.u32 v6, $0x3F;
	v19 =	vtrunc.f32 v19;
	v23 =	vmul.f32 $6.400000000e+01, v23;
	v28 =	vld [tilespmem:s11+$0x50]  }
0x2f8: {  	v14 =	vmin.u32 v14, $0x3F;
	v20 =	vtrunc.f32 v20;
	v24 =	vmul.f32 $6.400000000e+01, v24;
	v29 =	vld [tilespmem:s11+$0x60]  }
0x2f9: {  	v7 =	vmin.u32 v7, $0x3F;
	v22 =	vtrunc.f32 v22;
	v30 =	vld [tilespmem:s11+$0xFFFFFF80];
	v25 =	vmul.f32 $6.400000000e+01, v25  }
0x2fa: {  	v13 =	vmin.u32 v13, $0x3F;
	v23 =	vtrunc.f32 v23;
	v26 =	vmul.f32 $6.400000000e+01, v26;
	v5 =	vld.idx.msk [tilespmem:v5+s18+$0x0], $0xffff  }
0x2fb: {  	v10 =	vmin.u32 v10, $0x3F;
	v24 =	vtrunc.f32 v24;
	v27 =	vmul.f32 $6.400000000e+01, v27;
	v21 =	vld.idx.msk [tilespmem:v21+s18+$0x0], $0xffff  }
0x2fc: {  	v11 =	vmin.u32 v11, $0x3F;
	v25 =	vtrunc.f32 v25;
	v28 =	vmul.f32 $6.400000000e+01, v28;
	v31 =	vld.idx.msk [tilespmem:v0+s18+$0x0], $0xffff  }
0x2fd: {  	v32 =	vmin.u32 v8, $0x3F;
	v26 =	vtrunc.f32 v26;
	v0 =	vmul.f32 $6.400000000e+01, v29;
	v29 =	vld.idx.msk [tilespmem:v3+s18+$0x0], $0xffff  }
0x2fe: {  	v27 =	vtrunc.f32 v27;
	v3 =	vmul.f32 $6.400000000e+01, v30;
	v8 =	vld.idx.msk [tilespmem:v9+s18+$0x0], $0xffff;
	v30 =	vmin.u32 v12, $0x3F  }
0x2ff: {  	v34 =	vmin.u32 v2, $0x3F;
	v28 =	vtrunc.f32 v28;
	v33 =	vtrunc.f32 v0;
	v12 =	vld.idx.msk [tilespmem:v6+s18+$0x0], $0xffff  }
0x300: {  	v36 =	vmin.u32 v4, $0x3F;
	s8 =	sadd.s32 $0x100, s8;
	v0 =	vcvt.f32.s32 v15;
	v2 =	vtrunc.f32 v3;
	[tilespmem:s9+$0xFFFFFF80] =	vst v5;
	v35 =	vld.idx.msk [tilespmem:v14+s18+$0x0], $0xffff  }
0x301: {  	v37 =	vmin.u32 v1, $0x3F;
	v3 =	vcvt.f32.s32 v16;
	v5 =	vcvt.f32.s32 v2;
	[tilespmem:s8+$0x70] =	vst v21;
	v21 =	vld.idx.msk [tilespmem:v7+s18+$0x0], $0xffff  }
0x302: {  	v9 =	vcvt.f32.s32 v17;
	v6 =	vcvt.f32.s32 v18;
	vm0 =	vgt.s32 v0, $0x0;
	[tilespmem:s9+$0xFFFFFF90] =	vst v31;
	v31 =	vld.idx.msk [tilespmem:v13+s18+$0x0], $0xffff  }
0x303: {  	v14 =	vcvt.f32.s32 v19;
	v7 =	vcvt.f32.s32 v20;
	vm1 =	vgt.s32 v5, $0x0;
	[tilespmem:s9+$0xFFFFFFA0] =	vst v29;
	v20 =	vld.idx.msk [tilespmem:v10+s18+$0x0], $0xffff  }
0x304: {  	vm2 =	vgt.s32 v3, $0x0;
	v13 =	vcvt.f32.s32 v22;
	v10 =	vcvt.f32.s32 v23;
	[tilespmem:s9+$0xFFFFFFB0] =	vst v8;
	v15 =	vld.idx.msk [tilespmem:v11+s18+$0x0], $0xffff  }
.Ltmp14:
0x305: {  	vm3 =	vgt.s32 v9, $0x0;
	v11 =	vcvt.f32.s32 v24;
	v8 =	vcvt.f32.s32 v25;
	[tilespmem:s9+$0xFFFFFFC0] =	vst v12;
	v16 =	vld.idx.msk [tilespmem:v32+s18+$0x0], $0xffff;
	(pc) =	sbr.rel @p0 .LBB2_21-.Ltmp14, $4  }
0x306: {  	vm5 =	vgt.s32 v6, $0x0;
	v2 =	vcvt.f32.s32 v27;
	v12 =	vcvt.f32.s32 v26;
	[tilespmem:s9+$0xFFFFFFD0] =	vst v35;
	v17 =	vld.idx.msk [tilespmem:v30+s18+$0x0], $0xffff  }
0x307: {  	v4 =	vcvt.f32.s32 v28;
	v1 =	vcvt.f32.s32 v33;
	vm9 =	vgt.s32 v14, $0x0;
	[tilespmem:s9+$0xFFFFFFE0] =	vst v21;
	v18 =	vld.idx.msk [tilespmem:v34+s18+$0x0], $0xffff  }
0x308: {  	vm11 =	vgt.s32 v7, $0x0;
	vm10 =	vgt.s32 v13, $0x0;
	vm7 =	vgt.s32 v10, $0x0;
	[tilespmem:s9+$0xFFFFFFF0] =	vst v31;
	v19 =	vld.idx.msk [tilespmem:v36+s18+$0x0], $0xffff  }
0x309: {  	s11 =	sadd.s32 $0x100, s11;
	vm8 =	vgt.s32 v11, $0x0;
	vm6 =	vgt.s32 v8, $0x0;
	vm4 =	vgt.s32 v12, $0x0;
	[tilespmem:s9+$0x0] =	vst v20;
	v20 =	vld.idx.msk [tilespmem:v37+s18+$0x0], $0xffff  }
0x30a: {  	v5 =	vnsel vm1, $0x0, v5  }
0x30b: {  	v0 =	vnsel vm0, $0x0, v0;
	v5 =	vmin.u32 v5, $0x3F  }
0x30c: {  	v3 =	vnsel vm2, $0x0, v3;
	v0 =	vmin.u32 v0, $0x3F  }
0x30d: {  	v9 =	vnsel vm3, $0x0, v9;
	v3 =	vmin.u32 v3, $0x3F  }
0x30e: {  	v6 =	vnsel vm5, $0x0, v6;
	v9 =	vmin.u32 v9, $0x3F  }
0x30f: {  	[tilespmem:s9+$0x10] =	vst v15;
	v14 =	vnsel vm9, $0x0, v14;
	v6 =	vmin.u32 v6, $0x3F  }
0x310: {  	[tilespmem:s9+$0x20] =	vst v16;
	v7 =	vnsel vm11, $0x0, v7;
	v14 =	vmin.u32 v14, $0x3F;
	v5 =	vld.idx.msk [tilespmem:v5+s18+$0x0], $0xffff  }
0x311: {  	v13 =	vnsel vm10, $0x0, v13;
	[tilespmem:s9+$0x30] =	vst v17;
	v7 =	vmin.u32 v7, $0x3F;
	v0 =	vld.idx.msk [tilespmem:v0+s18+$0x0], $0xffff  }
0x312: {  	v10 =	vnsel vm7, $0x0, v10;
	v13 =	vmin.u32 v13, $0x3F;
	[tilespmem:s9+$0x40] =	vst v18;
	v3 =	vld.idx.msk [tilespmem:v3+s18+$0x0], $0xffff  }
0x313: {  	v11 =	vnsel vm8, $0x0, v11;
	v10 =	vmin.u32 v10, $0x3F;
	[tilespmem:s9+$0x50] =	vst v19;
	v9 =	vld.idx.msk [tilespmem:v9+s18+$0x0], $0xffff  }
0x314: {  	v8 =	vnsel vm6, $0x0, v8;
	v11 =	vmin.u32 v11, $0x3F;
	[tilespmem:s9+$0x60] =	vst v20;
	v6 =	vld.idx.msk [tilespmem:v6+s18+$0x0], $0xffff  }
0x315: {  	vm13 =	vgt.s32 v2, $0x0;
	v12 =	vnsel vm4, $0x0, v12;
	v8 =	vmin.u32 v8, $0x3F;
	v57 =	vld.idx.msk [tilespmem:v14+s18+$0x0], $0xffff;
	[tilespmem:s8+$0xFFFFFF80] =	vst v5  }
0x316: {  	vm15 =	vgt.s32 v1, $0x0;
	v2 =	vnsel vm13, $0x0, v2;
	v12 =	vmin.u32 v12, $0x3F;
	v7 =	vld.idx.msk [tilespmem:v7+s18+$0x0], $0xffff;
	[tilespmem:s8+$0xFFFFFF90] =	vst v0  }
0x317: {  	vm14 =	vgt.s32 v4, $0x0;
	v1 =	vnsel vm15, $0x0, v1;
	v2 =	vmin.u32 v2, $0x3F;
	v59 =	vld.idx.msk [tilespmem:v13+s18+$0x0], $0xffff;
	[tilespmem:s8+$0xFFFFFFA0] =	vst v3  }
0x318: {  	v58 =	vnsel vm14, $0x0, v4;
	v1 =	vmin.u32 v1, $0x3F;
	v60 =	vld.idx.msk [tilespmem:v10+s18+$0x0], $0xffff;
	[tilespmem:s8+$0xFFFFFFB0] =	vst v9  }
0x319: {  	v61 =	vld.idx.msk [tilespmem:v11+s18+$0x0], $0xffff;
	v0 =	vmin.u32 v58, $0x3F;
	[tilespmem:s8+$0xFFFFFFC0] =	vst v6  }
0x31a: {  	v62 =	vld.idx.msk [tilespmem:v8+s18+$0x0], $0xffff;
	[tilespmem:s8+$0xFFFFFFD0] =	vst v57  }
0x31b: {  	v63 =	vld.idx.msk [tilespmem:v12+s18+$0x0], $0xffff;
	[tilespmem:s8+$0xFFFFFFE0] =	vst v7  }
0x31c: {  	v2 =	vld.idx.msk [tilespmem:v2+s18+$0x0], $0xffff;
	[tilespmem:s8+$0xFFFFFFF0] =	vst v59  }
0x31d: {  	v1 =	vld.idx.msk [tilespmem:v1+s18+$0x0], $0xffff;
	[tilespmem:s8+$0x0] =	vst v60  }
0x31e: {  	[tilespmem:s8+$0x10] =	vst v61;
	v0 =	vld.idx.msk [tilespmem:v0+s18+$0x0], $0xffff  }
0x31f: {  	p0 =	seq.s32 s2, $0x7;
	[tilespmem:s8+$0x20] =	vst v62  }
.Ltmp15:
0x320: {  	[tilespmem:s8+$0x30] =	vst v63;
	(pc) =	sbr.rel @p0 .LBB2_24-.Ltmp15, $4  }
0x321: {  	[tilespmem:s8+$0x40] =	vst v2  }
0x322: {  	[tilespmem:s8+$0x60] =	vst v1  }
0x323: {  	s3 =	sadd.s32 $0xC00, s3;
	[tilespmem:s8+$0x50] =	vst v0  }
0x324: {  	[hbm4b:s3+s5] =	stream.linear.scatter [tilespmem:s29], [sflag:$0x8], $0x2000, $0x38;
	[tilespmem:$0x10100] =	vst v63  }
.Ltmp16:
0x325: {  	(pc) =	sbr.rel .LBB2_2-.Ltmp16, $4  }
0x326: {  	_ = 	snop  }
0x327: {  	s0 =	sadd.s32 s1, s0  }
0x328: {  	s2 =	sadd.s32 $0x1, s2;
	s0 =	sadd.s32 $0x1C00, s0  }
0x329: {  	[tilespmem:s15], [sflag:$0x4] =	stream.linear.gather [hbm4b:s0+s5], $0x2000, $0x38;
	[tilespmem:$0x10100] =	vst v63  }
.LBB2_25:
0x32a: {  	_ =	sfence.sel $0x180000  }
0x32b: {  	[bflag:$0x0] =	sbarrier.arrive $0xFFFF  }
0x32c: {  	_ =	strace $0x90000047  }
0x32d: {  	s0 =	stileid.u32;
	[bflag:$0x2] =	sbarrier.arrive $0xFFFF  }
0x32e: {  	p0 =	sne.s32 s0, $0x0;
	s0 =	rddreg [dreg:$0x3]  }
0x32f: {  	s0 =	sadd.s32 @!p0 $0x100000, s0  }
0x330: {  	[sflag:s0] =	ssyncadd.tile.s32 @!p0 $0x1;
	_ =	shalt  }
.Lfunc_end2:
_tile_overlayer_lowered:
.L_overlay_start_2:
0x331: {  	(tag) =	ssettag $0x2  }
0x332: {  	s0 =	rddreg [dreg:$0x0];
	s2 =	stileid.u32  }
0x333: {  	s1 =	rddreg [dreg:$0x1];
	p0 =	sne.s32 s2, $0x0  }
0x334: {  	s3 =	rddreg [dreg:$0x2];
	[bflag:$0x3] =	sbarrier.arrive $0xFFFF;
	s2 =	simm.s32 @!p0 $0x1C09  }
0x335: {  	[timem:s3], [sflag:s2] =	dma.local @!p0 [hbm:s0], s1  }
0x336: {  	s0 =	simm.s32 @!p0 $0x9  }
0x337: {  	_ =	swait.ge @!p0 [sflag:s0], s1  }
0x338: {  	s1 =	ssub.s32 @!p0 $0x0, s1;
	[sflag:s0] =	ssyncset.done @!p0 $0x0  }
0x339: {  	[sflag:s0] =	ssyncadd.s32 @!p0 s1  }
0x33a: {  	[bflag:$0x3] =	sbarrier.arrive $0xFFFF  }
0x33b: {  	_ =	shalt  }

</sc_bundles>
